<compile_context>
chip_gen: v7x
topology: tpu7x:2x2x1
jax: 0.10.2.dev20260603
libtpu: 0.0.44.dev20260713+nightly
codegen_flags: <defaults>
</compile_context>

<pallas_src>
import functools

import jax
import jax.numpy as jnp
from jax import lax
from jax.experimental import pallas as pl
from jax.experimental.pallas import tpu as pltpu
from jax.experimental.pallas import tpu_sc as plsc


def _sc_dots(v_i, v_j, neg_flat, second, context, NW, BW, K, L):
    B = v_i.shape[0]
    D = second.shape[1]
    NC = NW // 16
    NCH = D // L
    NI = 2 + K
    ND = 1 + K

    mesh = plsc.VectorSubcoreMesh(core_axis_name="c", subcore_axis_name="s",
                                  num_cores=NC)

    @functools.partial(
        pl.kernel,
        mesh=mesh,
        out_type=jax.ShapeDtypeStruct((NW * ND, BW, L), jnp.float32),
        compiler_params=pltpu.CompilerParams(use_tc_tiling_on_sc=False),
        scratch_types=[
            pltpu.VMEM((NI, BW), jnp.int32),
            pltpu.VMEM((BW, D), jnp.float32),
            pltpu.VMEM((BW, D), jnp.float32),
            pltpu.VMEM((K, BW, D), jnp.float32),
            pltpu.VMEM((ND, BW, L), jnp.float32),
            pltpu.SemaphoreType.DMA,
            pltpu.SemaphoreType.DMA,
        ],
    )
    def k(vi_hbm, vj_hbm, neg_hbm, second_hbm, context_hbm, out_hbm,
          idx_v, vi_rows, vj_rows, neg_rows, out_v, isem, sem):
        wid = lax.axis_index("s") * NC + lax.axis_index("c")
        base = wid * BW

        scps = [
            pltpu.async_copy(vi_hbm.at[pl.ds(base, BW)], idx_v.at[0], isem),
            pltpu.async_copy(vj_hbm.at[pl.ds(base, BW)], idx_v.at[1], isem),
        ]
        for kk in range(K):
            scps.append(
                pltpu.async_copy(neg_hbm.at[pl.ds(kk * B + base, BW)],
                                 idx_v.at[2 + kk], isem))

        scps[0].wait()
        scps[1].wait()
        cps = [
            pltpu.async_copy(second_hbm.at[idx_v.at[0]], vi_rows, sem),
            pltpu.async_copy(context_hbm.at[idx_v.at[1]], vj_rows, sem),
        ]
        for kk in range(K):
            scps[2 + kk].wait()
            cps.append(
                pltpu.async_copy(context_hbm.at[idx_v.at[2 + kk]],
                                 neg_rows.at[kk], sem))
        cps[0].wait()
        cps[1].wait()

        @plsc.parallel_loop(0, BW, unroll=4)
        def pos_body(g):
            acc = vi_rows[g, pl.ds(0, L)] * vj_rows[g, pl.ds(0, L)]
            for c in range(1, NCH):
                acc = acc + (vi_rows[g, pl.ds(c * L, L)]
                             * vj_rows[g, pl.ds(c * L, L)])
            out_v[0, g, :] = acc

        for kk in range(K):
            cps[2 + kk].wait()

            @plsc.parallel_loop(0, BW, unroll=4)
            def neg_body(g, _kk=kk):
                acc = (vi_rows[g, pl.ds(0, L)]
                       * neg_rows[_kk, g, pl.ds(0, L)])
                for c in range(1, NCH):
                    acc = acc + (vi_rows[g, pl.ds(c * L, L)]
                                 * neg_rows[_kk, g, pl.ds(c * L, L)])
                out_v[1 + _kk, g, :] = acc

        pltpu.sync_copy(out_v, out_hbm.at[pl.ds(wid * ND, ND)])

    return k(v_i, v_j, neg_flat, second, context)


def _tc_finalize(x, batch, num_dots, block_rows):
    R, C = x.shape
    L = 16
    G = C // L

    def body(x_ref, o_ref):
        xs = x_ref[...]
        col = lax.broadcasted_iota(jnp.int32, (C, G), 0)
        grp = lax.broadcasted_iota(jnp.int32, (C, G), 1)
        a = (col // L == grp).astype(jnp.float32)
        s = jnp.dot(xs, a, preferred_element_type=jnp.float32)

        row = lax.broadcasted_iota(jnp.int32, (R, G), 0)
        d = (row // block_rows) % num_dots
        v = jnp.where(d == 0, s, -s)
        acc = jnp.minimum(v, 0.0) - jnp.log1p(jnp.exp(-jnp.abs(v)))
        o_ref[...] = jnp.broadcast_to(-(jnp.sum(acc) / batch), (1, 1))

    return pl.pallas_call(
        body,
        out_shape=jax.ShapeDtypeStruct((1, 1), jnp.float32),
    )(x)


def kernel(nodeindex, v_i, v_j, negsamples, first_embeddings,
           second_embeddings, context_embeddings):
    del nodeindex, first_embeddings
    B = v_i.shape[0]
    K = negsamples.shape[0]
    L = 16
    NW = 32
    BW = B // NW

    dots = _sc_dots(v_i, v_j, negsamples.reshape(K * B),
                    second_embeddings, context_embeddings,
                    NW, BW, K, L)
    x = dots.reshape((NW * (1 + K) * BW * L) // 128, 128)
    block_rows = (BW * L) // 128
    loss = _tc_finalize(x, B, 1 + K, block_rows)
    return loss[0, 0]

# --- scband reference (transcript-rebuilt; emitter-appended) ---
"""Pipeline reference for scband-line-29205777613284 (READ-ONLY COPY).

The authoritative reference and input builder live on the scoring server;
editing this copy changes nothing except your own understanding.
"""

import jax, jax.numpy as jnp
import numpy as np

DICT_SIZE = 1000
EMBED_DIM = 64
NUM_NEG = 5
BATCH = 4096


def setup_inputs(seed: int = 0) -> dict:
    key = jax.random.key(seed)
    k1, k2, k3, k4, k5, k6 = jax.random.split(key, 6)
    return {
        "nodeindex": jnp.arange(DICT_SIZE, dtype=jnp.int32),
        "v_i": jax.random.randint(k1, (BATCH,), 0, DICT_SIZE, dtype=jnp.int32),
        "v_j": jax.random.randint(k2, (BATCH,), 0, DICT_SIZE, dtype=jnp.int32),
        "negsamples": jax.random.randint(k3, (NUM_NEG, BATCH), 0, DICT_SIZE, dtype=jnp.int32),
        "first_embeddings": jax.random.normal(k4, (DICT_SIZE, EMBED_DIM), dtype=jnp.float32),
        "second_embeddings": jax.random.normal(k5, (DICT_SIZE, EMBED_DIM), dtype=jnp.float32),
        "context_embeddings": jax.random.normal(k6, (DICT_SIZE, EMBED_DIM), dtype=jnp.float32),
    }


def reference(nodeindex, v_i, v_j, negsamples, first_embeddings, second_embeddings, context_embeddings):
    # nn.Embedding lookups over nodeindex (= arange(dict_size), required so the
    # subsequent one-hot matmuls are shape-consistent).
    first = jnp.take(first_embeddings, nodeindex, axis=0)
    second = jnp.take(second_embeddings, nodeindex, axis=0)
    context = jnp.take(context_embeddings, nodeindex, axis=0)
    del first  # order == 'second' does not use first-order embeddings
    # one_hot(v) @ table  ==  table[v]  (mathematically identical, SparseCore gather)
    v_i_embedding = jnp.take(second, v_i, axis=0)
    v_j_embedding = jnp.take(context, v_j, axis=0)
    pos_loss = jax.nn.log_sigmoid(jnp.sum(v_i_embedding * v_j_embedding, axis=1))
    neg_loss = jnp.zeros((v_i.shape[0],), dtype=jnp.float32)
    for k in range(negsamples.shape[0]):
        neg_embedding = jnp.take(context, negsamples[k], axis=0)
        neg_loss = neg_loss + jax.nn.log_sigmoid(-jnp.sum(v_i_embedding * neg_embedding, axis=1))
    loss = pos_loss + neg_loss
    return -jnp.mean(loss)

if __name__ == "__main__":
    import jax
    _d = setup_inputs()
    print(jax.jit(kernel)(*tuple(_d.values())))

</pallas_src>

<mosaic_0001>
#map = affine_map<(d0, d1) -> (0)>
#map1 = affine_map<(d0, d1) -> (0, 0)>
#map2 = affine_map<(d0, d1) -> (0, 0, 0)>
module attributes {stable_mosaic.version = 14 : i64} {
  func.func @k(%arg0: i32, %arg1: i32, %arg2: memref<4096xi32, #tpu.memory_space<hbm>>, %arg3: memref<4096xi32, #tpu.memory_space<hbm>>, %arg4: memref<20480xi32, #tpu.memory_space<hbm>>, %arg5: memref<1000x64xf32, #tpu.memory_space<hbm>>, %arg6: memref<1000x64xf32, #tpu.memory_space<hbm>>, %arg7: memref<192x128x16xf32, #tpu.memory_space<hbm>>, %arg8: memref<7x128xi32, #tpu.memory_space<vmem>>, %arg9: memref<128x64xf32, #tpu.memory_space<vmem>>, %arg10: memref<128x64xf32, #tpu.memory_space<vmem>>, %arg11: memref<5x128x64xf32, #tpu.memory_space<vmem>>, %arg12: memref<6x128x16xf32, #tpu.memory_space<vmem>>, %arg13: memref<!tpu.dma_semaphore, #tpu.memory_space<semaphore_mem>>, %arg14: memref<!tpu.dma_semaphore, #tpu.memory_space<semaphore_mem>>) attributes {dimension_semantics = [#tpu.dimension_semantics<core_parallel>, #tpu.dimension_semantics<subcore_parallel>], iteration_bounds = array<i64: 2, 16>, scalar_prefetch = 0 : i64, scratch_operands = 7 : i64, tpu.core_type = #tpu.core_type<sc_vector_subcore>, window_params = [{transform_indices = #map}, {transform_indices = #map}, {transform_indices = #map}, {transform_indices = #map1}, {transform_indices = #map1}, {transform_indices = #map2}]} {
    %mul3A = arith.constant 2 : i32
    %mul3A_0 = arith.muli %arg1, %mul3A : i32
    %add3A = arith.addi %mul3A_0, %arg0 : i32
    %mul3A_1 = arith.constant 128 : i32
    %mul3A_2 = arith.muli %add3A, %mul3A_1 : i32
    %dma_start3A = arith.constant 0 : i32
    %dma_start3A_3 = arith.constant 0 : i32
    %dma_start3A_4 = tpu.memref_slice %arg8[%dma_start3A, %dma_start3A_3] : memref<7x128xi32, #tpu.memory_space<vmem>> -> memref<1x128xi32, #tpu.memory_space<vmem>>
    %dma_start3A_5 = tpu.memref_squeeze %dma_start3A_4 : memref<1x128xi32, #tpu.memory_space<vmem>> -> memref<128xi32, #tpu.memory_space<vmem>>
    %dma_start3A_6 = tpu.memref_slice %arg2[%mul3A_2] : memref<4096xi32, #tpu.memory_space<hbm>> -> memref<128xi32, #tpu.memory_space<hbm>>
    %dma_start3A_7 = arith.constant 0 : i32
    %dma_start3A_8 = tpu.memref_slice %arg8[%dma_start3A, %dma_start3A_7] : memref<7x128xi32, #tpu.memory_space<vmem>> -> memref<1x128xi32, #tpu.memory_space<vmem>>
    %dma_start3A_9 = tpu.memref_squeeze %dma_start3A_8 : memref<1x128xi32, #tpu.memory_space<vmem>> -> memref<128xi32, #tpu.memory_space<vmem>>
    %dma_start3A_10 = tpu.memref_slice %arg2[%mul3A_2] : memref<4096xi32, #tpu.memory_space<hbm>> -> memref<128xi32, #tpu.memory_space<hbm>>
    tpu.enqueue_dma source(%dma_start3A_10 : memref<128xi32, #tpu.memory_space<hbm>>) target(%dma_start3A_9 : memref<128xi32, #tpu.memory_space<vmem>>) target_semaphore(%arg13 : memref<!tpu.dma_semaphore, #tpu.memory_space<semaphore_mem>>)
    %dma_start3A_11 = arith.constant 1 : i32
    %dma_start3A_12 = arith.constant 0 : i32
    %dma_start3A_13 = tpu.memref_slice %arg8[%dma_start3A_11, %dma_start3A_12] : memref<7x128xi32, #tpu.memory_space<vmem>> -> memref<1x128xi32, #tpu.memory_space<vmem>>
    %dma_start3A_14 = tpu.memref_squeeze %dma_start3A_13 : memref<1x128xi32, #tpu.memory_space<vmem>> -> memref<128xi32, #tpu.memory_space<vmem>>
    %dma_start3A_15 = tpu.memref_slice %arg3[%mul3A_2] : memref<4096xi32, #tpu.memory_space<hbm>> -> memref<128xi32, #tpu.memory_space<hbm>>
    %dma_start3A_16 = arith.constant 0 : i32
    %dma_start3A_17 = tpu.memref_slice %arg8[%dma_start3A_11, %dma_start3A_16] : memref<7x128xi32, #tpu.memory_space<vmem>> -> memref<1x128xi32, #tpu.memory_space<vmem>>
    %dma_start3A_18 = tpu.memref_squeeze %dma_start3A_17 : memref<1x128xi32, #tpu.memory_space<vmem>> -> memref<128xi32, #tpu.memory_space<vmem>>
    %dma_start3A_19 = tpu.memref_slice %arg3[%mul3A_2] : memref<4096xi32, #tpu.memory_space<hbm>> -> memref<128xi32, #tpu.memory_space<hbm>>
    tpu.enqueue_dma source(%dma_start3A_19 : memref<128xi32, #tpu.memory_space<hbm>>) target(%dma_start3A_18 : memref<128xi32, #tpu.memory_space<vmem>>) target_semaphore(%arg13 : memref<!tpu.dma_semaphore, #tpu.memory_space<semaphore_mem>>)
    %add3A_20 = arith.constant 0 : i32
    %add3A_21 = arith.addi %add3A_20, %mul3A_2 : i32
    %dma_start3A_22 = arith.constant 2 : i32
    %dma_start3A_23 = arith.constant 0 : i32
    %dma_start3A_24 = tpu.memref_slice %arg8[%dma_start3A_22, %dma_start3A_23] : memref<7x128xi32, #tpu.memory_space<vmem>> -> memref<1x128xi32, #tpu.memory_space<vmem>>
    %dma_start3A_25 = tpu.memref_squeeze %dma_start3A_24 : memref<1x128xi32, #tpu.memory_space<vmem>> -> memref<128xi32, #tpu.memory_space<vmem>>
    %dma_start3A_26 = tpu.memref_slice %arg4[%add3A_21] : memref<20480xi32, #tpu.memory_space<hbm>> -> memref<128xi32, #tpu.memory_space<hbm>>
    %dma_start3A_27 = arith.constant 0 : i32
    %dma_start3A_28 = tpu.memref_slice %arg8[%dma_start3A_22, %dma_start3A_27] : memref<7x128xi32, #tpu.memory_space<vmem>> -> memref<1x128xi32, #tpu.memory_space<vmem>>
    %dma_start3A_29 = tpu.memref_squeeze %dma_start3A_28 : memref<1x128xi32, #tpu.memory_space<vmem>> -> memref<128xi32, #tpu.memory_space<vmem>>
    %dma_start3A_30 = tpu.memref_slice %arg4[%add3A_21] : memref<20480xi32, #tpu.memory_space<hbm>> -> memref<128xi32, #tpu.memory_space<hbm>>
    tpu.enqueue_dma source(%dma_start3A_30 : memref<128xi32, #tpu.memory_space<hbm>>) target(%dma_start3A_29 : memref<128xi32, #tpu.memory_space<vmem>>) target_semaphore(%arg13 : memref<!tpu.dma_semaphore, #tpu.memory_space<semaphore_mem>>)
    %add3A_31 = arith.constant 4096 : i32
    %add3A_32 = arith.addi %add3A_31, %mul3A_2 : i32
    %dma_start3A_33 = arith.constant 3 : i32
    %dma_start3A_34 = arith.constant 0 : i32
    %dma_start3A_35 = tpu.memref_slice %arg8[%dma_start3A_33, %dma_start3A_34] : memref<7x128xi32, #tpu.memory_space<vmem>> -> memref<1x128xi32, #tpu.memory_space<vmem>>
    %dma_start3A_36 = tpu.memref_squeeze %dma_start3A_35 : memref<1x128xi32, #tpu.memory_space<vmem>> -> memref<128xi32, #tpu.memory_space<vmem>>
    %dma_start3A_37 = tpu.memref_slice %arg4[%add3A_32] : memref<20480xi32, #tpu.memory_space<hbm>> -> memref<128xi32, #tpu.memory_space<hbm>>
    %dma_start3A_38 = arith.constant 0 : i32
    %dma_start3A_39 = tpu.memref_slice %arg8[%dma_start3A_33, %dma_start3A_38] : memref<7x128xi32, #tpu.memory_space<vmem>> -> memref<1x128xi32, #tpu.memory_space<vmem>>
    %dma_start3A_40 = tpu.memref_squeeze %dma_start3A_39 : memref<1x128xi32, #tpu.memory_space<vmem>> -> memref<128xi32, #tpu.memory_space<vmem>>
    %dma_start3A_41 = tpu.memref_slice %arg4[%add3A_32] : memref<20480xi32, #tpu.memory_space<hbm>> -> memref<128xi32, #tpu.memory_space<hbm>>
    tpu.enqueue_dma source(%dma_start3A_41 : memref<128xi32, #tpu.memory_space<hbm>>) target(%dma_start3A_40 : memref<128xi32, #tpu.memory_space<vmem>>) target_semaphore(%arg13 : memref<!tpu.dma_semaphore, #tpu.memory_space<semaphore_mem>>)
    %add3A_42 = arith.constant 8192 : i32
    %add3A_43 = arith.addi %add3A_42, %mul3A_2 : i32
    %dma_start3A_44 = arith.constant 4 : i32
    %dma_start3A_45 = arith.constant 0 : i32
    %dma_start3A_46 = tpu.memref_slice %arg8[%dma_start3A_44, %dma_start3A_45] : memref<7x128xi32, #tpu.memory_space<vmem>> -> memref<1x128xi32, #tpu.memory_space<vmem>>
    %dma_start3A_47 = tpu.memref_squeeze %dma_start3A_46 : memref<1x128xi32, #tpu.memory_space<vmem>> -> memref<128xi32, #tpu.memory_space<vmem>>
    %dma_start3A_48 = tpu.memref_slice %arg4[%add3A_43] : memref<20480xi32, #tpu.memory_space<hbm>> -> memref<128xi32, #tpu.memory_space<hbm>>
    %dma_start3A_49 = arith.constant 0 : i32
    %dma_start3A_50 = tpu.memref_slice %arg8[%dma_start3A_44, %dma_start3A_49] : memref<7x128xi32, #tpu.memory_space<vmem>> -> memref<1x128xi32, #tpu.memory_space<vmem>>
    %dma_start3A_51 = tpu.memref_squeeze %dma_start3A_50 : memref<1x128xi32, #tpu.memory_space<vmem>> -> memref<128xi32, #tpu.memory_space<vmem>>
    %dma_start3A_52 = tpu.memref_slice %arg4[%add3A_43] : memref<20480xi32, #tpu.memory_space<hbm>> -> memref<128xi32, #tpu.memory_space<hbm>>
    tpu.enqueue_dma source(%dma_start3A_52 : memref<128xi32, #tpu.memory_space<hbm>>) target(%dma_start3A_51 : memref<128xi32, #tpu.memory_space<vmem>>) target_semaphore(%arg13 : memref<!tpu.dma_semaphore, #tpu.memory_space<semaphore_mem>>)
    %add3A_53 = arith.constant 12288 : i32
    %add3A_54 = arith.addi %add3A_53, %mul3A_2 : i32
    %dma_start3A_55 = arith.constant 5 : i32
    %dma_start3A_56 = arith.constant 0 : i32
    %dma_start3A_57 = tpu.memref_slice %arg8[%dma_start3A_55, %dma_start3A_56] : memref<7x128xi32, #tpu.memory_space<vmem>> -> memref<1x128xi32, #tpu.memory_space<vmem>>
    %dma_start3A_58 = tpu.memref_squeeze %dma_start3A_57 : memref<1x128xi32, #tpu.memory_space<vmem>> -> memref<128xi32, #tpu.memory_space<vmem>>
    %dma_start3A_59 = tpu.memref_slice %arg4[%add3A_54] : memref<20480xi32, #tpu.memory_space<hbm>> -> memref<128xi32, #tpu.memory_space<hbm>>
    %dma_start3A_60 = arith.constant 0 : i32
    %dma_start3A_61 = tpu.memref_slice %arg8[%dma_start3A_55, %dma_start3A_60] : memref<7x128xi32, #tpu.memory_space<vmem>> -> memref<1x128xi32, #tpu.memory_space<vmem>>
    %dma_start3A_62 = tpu.memref_squeeze %dma_start3A_61 : memref<1x128xi32, #tpu.memory_space<vmem>> -> memref<128xi32, #tpu.memory_space<vmem>>
    %dma_start3A_63 = tpu.memref_slice %arg4[%add3A_54] : memref<20480xi32, #tpu.memory_space<hbm>> -> memref<128xi32, #tpu.memory_space<hbm>>
    tpu.enqueue_dma source(%dma_start3A_63 : memref<128xi32, #tpu.memory_space<hbm>>) target(%dma_start3A_62 : memref<128xi32, #tpu.memory_space<vmem>>) target_semaphore(%arg13 : memref<!tpu.dma_semaphore, #tpu.memory_space<semaphore_mem>>)
    %add3A_64 = arith.constant 16384 : i32
    %add3A_65 = arith.addi %add3A_64, %mul3A_2 : i32
    %dma_start3A_66 = arith.constant 6 : i32
    %dma_start3A_67 = arith.constant 0 : i32
    %dma_start3A_68 = tpu.memref_slice %arg8[%dma_start3A_66, %dma_start3A_67] : memref<7x128xi32, #tpu.memory_space<vmem>> -> memref<1x128xi32, #tpu.memory_space<vmem>>
    %dma_start3A_69 = tpu.memref_squeeze %dma_start3A_68 : memref<1x128xi32, #tpu.memory_space<vmem>> -> memref<128xi32, #tpu.memory_space<vmem>>
    %dma_start3A_70 = tpu.memref_slice %arg4[%add3A_65] : memref<20480xi32, #tpu.memory_space<hbm>> -> memref<128xi32, #tpu.memory_space<hbm>>
    %dma_start3A_71 = arith.constant 0 : i32
    %dma_start3A_72 = tpu.memref_slice %arg8[%dma_start3A_66, %dma_start3A_71] : memref<7x128xi32, #tpu.memory_space<vmem>> -> memref<1x128xi32, #tpu.memory_space<vmem>>
    %dma_start3A_73 = tpu.memref_squeeze %dma_start3A_72 : memref<1x128xi32, #tpu.memory_space<vmem>> -> memref<128xi32, #tpu.memory_space<vmem>>
    %dma_start3A_74 = tpu.memref_slice %arg4[%add3A_65] : memref<20480xi32, #tpu.memory_space<hbm>> -> memref<128xi32, #tpu.memory_space<hbm>>
    tpu.enqueue_dma source(%dma_start3A_74 : memref<128xi32, #tpu.memory_space<hbm>>) target(%dma_start3A_73 : memref<128xi32, #tpu.memory_space<vmem>>) target_semaphore(%arg13 : memref<!tpu.dma_semaphore, #tpu.memory_space<semaphore_mem>>)
    %dma_wait3A = arith.constant 0 : i32
    %dma_wait3A_75 = arith.constant 0 : i32
    %dma_wait3A_76 = tpu.memref_slice %arg8[%dma_wait3A, %dma_wait3A_75] : memref<7x128xi32, #tpu.memory_space<vmem>> -> memref<1x128xi32, #tpu.memory_space<vmem>>
    %dma_wait3A_77 = tpu.memref_squeeze %dma_wait3A_76 : memref<1x128xi32, #tpu.memory_space<vmem>> -> memref<128xi32, #tpu.memory_space<vmem>>
    %dma_wait3A_78 = tpu.memref_slice %arg2[%mul3A_2] : memref<4096xi32, #tpu.memory_space<hbm>> -> memref<128xi32, #tpu.memory_space<hbm>>
    %dma_wait3A_79 = arith.constant 0 : i32
    %dma_wait3A_80 = tpu.memref_slice %arg8[%dma_wait3A, %dma_wait3A_79] : memref<7x128xi32, #tpu.memory_space<vmem>> -> memref<1x128xi32, #tpu.memory_space<vmem>>
    %dma_wait3A_81 = tpu.memref_squeeze %dma_wait3A_80 : memref<1x128xi32, #tpu.memory_space<vmem>> -> memref<128xi32, #tpu.memory_space<vmem>>
    %dma_wait3A_82 = tpu.memref_slice %arg2[%mul3A_2] : memref<4096xi32, #tpu.memory_space<hbm>> -> memref<128xi32, #tpu.memory_space<hbm>>
    tpu.wait_dma2 semaphore(%arg13 : memref<!tpu.dma_semaphore, #tpu.memory_space<semaphore_mem>>) src(%dma_wait3A_82 : memref<128xi32, #tpu.memory_space<hbm>>) dst(%dma_wait3A_81 : memref<128xi32, #tpu.memory_space<vmem>>)
    %dma_wait3A_83 = arith.constant 1 : i32
    %dma_wait3A_84 = arith.constant 0 : i32
    %dma_wait3A_85 = tpu.memref_slice %arg8[%dma_wait3A_83, %dma_wait3A_84] : memref<7x128xi32, #tpu.memory_space<vmem>> -> memref<1x128xi32, #tpu.memory_space<vmem>>
    %dma_wait3A_86 = tpu.memref_squeeze %dma_wait3A_85 : memref<1x128xi32, #tpu.memory_space<vmem>> -> memref<128xi32, #tpu.memory_space<vmem>>
    %dma_wait3A_87 = tpu.memref_slice %arg3[%mul3A_2] : memref<4096xi32, #tpu.memory_space<hbm>> -> memref<128xi32, #tpu.memory_space<hbm>>
    %dma_wait3A_88 = arith.constant 0 : i32
    %dma_wait3A_89 = tpu.memref_slice %arg8[%dma_wait3A_83, %dma_wait3A_88] : memref<7x128xi32, #tpu.memory_space<vmem>> -> memref<1x128xi32, #tpu.memory_space<vmem>>
    %dma_wait3A_90 = tpu.memref_squeeze %dma_wait3A_89 : memref<1x128xi32, #tpu.memory_space<vmem>> -> memref<128xi32, #tpu.memory_space<vmem>>
    %dma_wait3A_91 = tpu.memref_slice %arg3[%mul3A_2] : memref<4096xi32, #tpu.memory_space<hbm>> -> memref<128xi32, #tpu.memory_space<hbm>>
    tpu.wait_dma2 semaphore(%arg13 : memref<!tpu.dma_semaphore, #tpu.memory_space<semaphore_mem>>) src(%dma_wait3A_91 : memref<128xi32, #tpu.memory_space<hbm>>) dst(%dma_wait3A_90 : memref<128xi32, #tpu.memory_space<vmem>>)
    %dma_start3A_92 = arith.constant 0 : i32
    %dma_start3A_93 = arith.constant 0 : i32
    %dma_start3A_94 = tpu.memref_slice %arg8[%dma_start3A_92, %dma_start3A_93] : memref<7x128xi32, #tpu.memory_space<vmem>> -> memref<1x128xi32, #tpu.memory_space<vmem>>
    %dma_start3A_95 = tpu.memref_squeeze %dma_start3A_94 : memref<1x128xi32, #tpu.memory_space<vmem>> -> memref<128xi32, #tpu.memory_space<vmem>>
    %dma_start3A_96 = arith.constant 0 : i32
    %dma_start3A_97 = arith.constant 0 : i32
    %dma_start3A_98 = tpu.memref_slice %arg5[%dma_start3A_96, %dma_start3A_97] : memref<1000x64xf32, #tpu.memory_space<hbm>> -> memref<1000x64xf32, #tpu.memory_space<hbm>>
    tpu.enqueue_indirect_dma source(%dma_start3A_98 : memref<1000x64xf32, #tpu.memory_space<hbm>>) target(%arg9 : memref<128x64xf32, #tpu.memory_space<vmem>>) offsets(%dma_start3A_95 : memref<128xi32, #tpu.memory_space<vmem>>) semaphore(%arg14 : memref<!tpu.dma_semaphore, #tpu.memory_space<semaphore_mem>>)
    %dma_start3A_99 = arith.constant 1 : i32
    %dma_start3A_100 = arith.constant 0 : i32
    %dma_start3A_101 = tpu.memref_slice %arg8[%dma_start3A_99, %dma_start3A_100] : memref<7x128xi32, #tpu.memory_space<vmem>> -> memref<1x128xi32, #tpu.memory_space<vmem>>
    %dma_start3A_102 = tpu.memref_squeeze %dma_start3A_101 : memref<1x128xi32, #tpu.memory_space<vmem>> -> memref<128xi32, #tpu.memory_space<vmem>>
    %dma_start3A_103 = arith.constant 0 : i32
    %dma_start3A_104 = arith.constant 0 : i32
    %dma_start3A_105 = tpu.memref_slice %arg6[%dma_start3A_103, %dma_start3A_104] : memref<1000x64xf32, #tpu.memory_space<hbm>> -> memref<1000x64xf32, #tpu.memory_space<hbm>>
    tpu.enqueue_indirect_dma source(%dma_start3A_105 : memref<1000x64xf32, #tpu.memory_space<hbm>>) target(%arg10 : memref<128x64xf32, #tpu.memory_space<vmem>>) offsets(%dma_start3A_102 : memref<128xi32, #tpu.memory_space<vmem>>) semaphore(%arg14 : memref<!tpu.dma_semaphore, #tpu.memory_space<semaphore_mem>>)
    %dma_wait3A_106 = arith.constant 2 : i32
    %dma_wait3A_107 = arith.constant 0 : i32
    %dma_wait3A_108 = tpu.memref_slice %arg8[%dma_wait3A_106, %dma_wait3A_107] : memref<7x128xi32, #tpu.memory_space<vmem>> -> memref<1x128xi32, #tpu.memory_space<vmem>>
    %dma_wait3A_109 = tpu.memref_squeeze %dma_wait3A_108 : memref<1x128xi32, #tpu.memory_space<vmem>> -> memref<128xi32, #tpu.memory_space<vmem>>
    %dma_wait3A_110 = tpu.memref_slice %arg4[%add3A_21] : memref<20480xi32, #tpu.memory_space<hbm>> -> memref<128xi32, #tpu.memory_space<hbm>>
    %dma_wait3A_111 = arith.constant 0 : i32
    %dma_wait3A_112 = tpu.memref_slice %arg8[%dma_wait3A_106, %dma_wait3A_111] : memref<7x128xi32, #tpu.memory_space<vmem>> -> memref<1x128xi32, #tpu.memory_space<vmem>>
    %dma_wait3A_113 = tpu.memref_squeeze %dma_wait3A_112 : memref<1x128xi32, #tpu.memory_space<vmem>> -> memref<128xi32, #tpu.memory_space<vmem>>
    %dma_wait3A_114 = tpu.memref_slice %arg4[%add3A_21] : memref<20480xi32, #tpu.memory_space<hbm>> -> memref<128xi32, #tpu.memory_space<hbm>>
    tpu.wait_dma2 semaphore(%arg13 : memref<!tpu.dma_semaphore, #tpu.memory_space<semaphore_mem>>) src(%dma_wait3A_114 : memref<128xi32, #tpu.memory_space<hbm>>) dst(%dma_wait3A_113 : memref<128xi32, #tpu.memory_space<vmem>>)
    %dma_start3A_115 = arith.constant 2 : i32
    %dma_start3A_116 = arith.constant 0 : i32
    %dma_start3A_117 = arith.constant 0 : i32
    %dma_start3A_118 = arith.constant 0 : i32
    %dma_start3A_119 = tpu.memref_slice %arg11[%dma_start3A_116, %dma_start3A_117, %dma_start3A_118] : memref<5x128x64xf32, #tpu.memory_space<vmem>> -> memref<1x128x64xf32, #tpu.memory_space<vmem>>
    %dma_start3A_120 = tpu.memref_squeeze %dma_start3A_119 : memref<1x128x64xf32, #tpu.memory_space<vmem>> -> memref<128x64xf32, #tpu.memory_space<vmem>>
    %dma_start3A_121 = arith.constant 0 : i32
    %dma_start3A_122 = tpu.memref_slice %arg8[%dma_start3A_115, %dma_start3A_121] : memref<7x128xi32, #tpu.memory_space<vmem>> -> memref<1x128xi32, #tpu.memory_space<vmem>>
    %dma_start3A_123 = tpu.memref_squeeze %dma_start3A_122 : memref<1x128xi32, #tpu.memory_space<vmem>> -> memref<128xi32, #tpu.memory_space<vmem>>
    %dma_start3A_124 = arith.constant 0 : i32
    %dma_start3A_125 = arith.constant 0 : i32
    %dma_start3A_126 = tpu.memref_slice %arg6[%dma_start3A_124, %dma_start3A_125] : memref<1000x64xf32, #tpu.memory_space<hbm>> -> memref<1000x64xf32, #tpu.memory_space<hbm>>
    tpu.enqueue_indirect_dma source(%dma_start3A_126 : memref<1000x64xf32, #tpu.memory_space<hbm>>) target(%dma_start3A_120 : memref<128x64xf32, #tpu.memory_space<vmem>>) offsets(%dma_start3A_123 : memref<128xi32, #tpu.memory_space<vmem>>) semaphore(%arg14 : memref<!tpu.dma_semaphore, #tpu.memory_space<semaphore_mem>>)
    %dma_wait3A_127 = arith.constant 3 : i32
    %dma_wait3A_128 = arith.constant 0 : i32
    %dma_wait3A_129 = tpu.memref_slice %arg8[%dma_wait3A_127, %dma_wait3A_128] : memref<7x128xi32, #tpu.memory_space<vmem>> -> memref<1x128xi32, #tpu.memory_space<vmem>>
    %dma_wait3A_130 = tpu.memref_squeeze %dma_wait3A_129 : memref<1x128xi32, #tpu.memory_space<vmem>> -> memref<128xi32, #tpu.memory_space<vmem>>
    %dma_wait3A_131 = tpu.memref_slice %arg4[%add3A_32] : memref<20480xi32, #tpu.memory_space<hbm>> -> memref<128xi32, #tpu.memory_space<hbm>>
    %dma_wait3A_132 = arith.constant 0 : i32
    %dma_wait3A_133 = tpu.memref_slice %arg8[%dma_wait3A_127, %dma_wait3A_132] : memref<7x128xi32, #tpu.memory_space<vmem>> -> memref<1x128xi32, #tpu.memory_space<vmem>>
    %dma_wait3A_134 = tpu.memref_squeeze %dma_wait3A_133 : memref<1x128xi32, #tpu.memory_space<vmem>> -> memref<128xi32, #tpu.memory_space<vmem>>
    %dma_wait3A_135 = tpu.memref_slice %arg4[%add3A_32] : memref<20480xi32, #tpu.memory_space<hbm>> -> memref<128xi32, #tpu.memory_space<hbm>>
    tpu.wait_dma2 semaphore(%arg13 : memref<!tpu.dma_semaphore, #tpu.memory_space<semaphore_mem>>) src(%dma_wait3A_135 : memref<128xi32, #tpu.memory_space<hbm>>) dst(%dma_wait3A_134 : memref<128xi32, #tpu.memory_space<vmem>>)
    %dma_start3A_136 = arith.constant 3 : i32
    %dma_start3A_137 = arith.constant 1 : i32
    %dma_start3A_138 = arith.constant 0 : i32
    %dma_start3A_139 = arith.constant 0 : i32
    %dma_start3A_140 = tpu.memref_slice %arg11[%dma_start3A_137, %dma_start3A_138, %dma_start3A_139] : memref<5x128x64xf32, #tpu.memory_space<vmem>> -> memref<1x128x64xf32, #tpu.memory_space<vmem>>
    %dma_start3A_141 = tpu.memref_squeeze %dma_start3A_140 : memref<1x128x64xf32, #tpu.memory_space<vmem>> -> memref<128x64xf32, #tpu.memory_space<vmem>>
    %dma_start3A_142 = arith.constant 0 : i32
    %dma_start3A_143 = tpu.memref_slice %arg8[%dma_start3A_136, %dma_start3A_142] : memref<7x128xi32, #tpu.memory_space<vmem>> -> memref<1x128xi32, #tpu.memory_space<vmem>>
    %dma_start3A_144 = tpu.memref_squeeze %dma_start3A_143 : memref<1x128xi32, #tpu.memory_space<vmem>> -> memref<128xi32, #tpu.memory_space<vmem>>
    %dma_start3A_145 = arith.constant 0 : i32
    %dma_start3A_146 = arith.constant 0 : i32
    %dma_start3A_147 = tpu.memref_slice %arg6[%dma_start3A_145, %dma_start3A_146] : memref<1000x64xf32, #tpu.memory_space<hbm>> -> memref<1000x64xf32, #tpu.memory_space<hbm>>
    tpu.enqueue_indirect_dma source(%dma_start3A_147 : memref<1000x64xf32, #tpu.memory_space<hbm>>) target(%dma_start3A_141 : memref<128x64xf32, #tpu.memory_space<vmem>>) offsets(%dma_start3A_144 : memref<128xi32, #tpu.memory_space<vmem>>) semaphore(%arg14 : memref<!tpu.dma_semaphore, #tpu.memory_space<semaphore_mem>>)
    %dma_wait3A_148 = arith.constant 4 : i32
    %dma_wait3A_149 = arith.constant 0 : i32
    %dma_wait3A_150 = tpu.memref_slice %arg8[%dma_wait3A_148, %dma_wait3A_149] : memref<7x128xi32, #tpu.memory_space<vmem>> -> memref<1x128xi32, #tpu.memory_space<vmem>>
    %dma_wait3A_151 = tpu.memref_squeeze %dma_wait3A_150 : memref<1x128xi32, #tpu.memory_space<vmem>> -> memref<128xi32, #tpu.memory_space<vmem>>
    %dma_wait3A_152 = tpu.memref_slice %arg4[%add3A_43] : memref<20480xi32, #tpu.memory_space<hbm>> -> memref<128xi32, #tpu.memory_space<hbm>>
    %dma_wait3A_153 = arith.constant 0 : i32
    %dma_wait3A_154 = tpu.memref_slice %arg8[%dma_wait3A_148, %dma_wait3A_153] : memref<7x128xi32, #tpu.memory_space<vmem>> -> memref<1x128xi32, #tpu.memory_space<vmem>>
    %dma_wait3A_155 = tpu.memref_squeeze %dma_wait3A_154 : memref<1x128xi32, #tpu.memory_space<vmem>> -> memref<128xi32, #tpu.memory_space<vmem>>
    %dma_wait3A_156 = tpu.memref_slice %arg4[%add3A_43] : memref<20480xi32, #tpu.memory_space<hbm>> -> memref<128xi32, #tpu.memory_space<hbm>>
    tpu.wait_dma2 semaphore(%arg13 : memref<!tpu.dma_semaphore, #tpu.memory_space<semaphore_mem>>) src(%dma_wait3A_156 : memref<128xi32, #tpu.memory_space<hbm>>) dst(%dma_wait3A_155 : memref<128xi32, #tpu.memory_space<vmem>>)
    %dma_start3A_157 = arith.constant 4 : i32
    %dma_start3A_158 = arith.constant 2 : i32
    %dma_start3A_159 = arith.constant 0 : i32
    %dma_start3A_160 = arith.constant 0 : i32
    %dma_start3A_161 = tpu.memref_slice %arg11[%dma_start3A_158, %dma_start3A_159, %dma_start3A_160] : memref<5x128x64xf32, #tpu.memory_space<vmem>> -> memref<1x128x64xf32, #tpu.memory_space<vmem>>
    %dma_start3A_162 = tpu.memref_squeeze %dma_start3A_161 : memref<1x128x64xf32, #tpu.memory_space<vmem>> -> memref<128x64xf32, #tpu.memory_space<vmem>>
    %dma_start3A_163 = arith.constant 0 : i32
    %dma_start3A_164 = tpu.memref_slice %arg8[%dma_start3A_157, %dma_start3A_163] : memref<7x128xi32, #tpu.memory_space<vmem>> -> memref<1x128xi32, #tpu.memory_space<vmem>>
    %dma_start3A_165 = tpu.memref_squeeze %dma_start3A_164 : memref<1x128xi32, #tpu.memory_space<vmem>> -> memref<128xi32, #tpu.memory_space<vmem>>
    %dma_start3A_166 = arith.constant 0 : i32
    %dma_start3A_167 = arith.constant 0 : i32
    %dma_start3A_168 = tpu.memref_slice %arg6[%dma_start3A_166, %dma_start3A_167] : memref<1000x64xf32, #tpu.memory_space<hbm>> -> memref<1000x64xf32, #tpu.memory_space<hbm>>
    tpu.enqueue_indirect_dma source(%dma_start3A_168 : memref<1000x64xf32, #tpu.memory_space<hbm>>) target(%dma_start3A_162 : memref<128x64xf32, #tpu.memory_space<vmem>>) offsets(%dma_start3A_165 : memref<128xi32, #tpu.memory_space<vmem>>) semaphore(%arg14 : memref<!tpu.dma_semaphore, #tpu.memory_space<semaphore_mem>>)
    %dma_wait3A_169 = arith.constant 5 : i32
    %dma_wait3A_170 = arith.constant 0 : i32
    %dma_wait3A_171 = tpu.memref_slice %arg8[%dma_wait3A_169, %dma_wait3A_170] : memref<7x128xi32, #tpu.memory_space<vmem>> -> memref<1x128xi32, #tpu.memory_space<vmem>>
    %dma_wait3A_172 = tpu.memref_squeeze %dma_wait3A_171 : memref<1x128xi32, #tpu.memory_space<vmem>> -> memref<128xi32, #tpu.memory_space<vmem>>
    %dma_wait3A_173 = tpu.memref_slice %arg4[%add3A_54] : memref<20480xi32, #tpu.memory_space<hbm>> -> memref<128xi32, #tpu.memory_space<hbm>>
    %dma_wait3A_174 = arith.constant 0 : i32
    %dma_wait3A_175 = tpu.memref_slice %arg8[%dma_wait3A_169, %dma_wait3A_174] : memref<7x128xi32, #tpu.memory_space<vmem>> -> memref<1x128xi32, #tpu.memory_space<vmem>>
    %dma_wait3A_176 = tpu.memref_squeeze %dma_wait3A_175 : memref<1x128xi32, #tpu.memory_space<vmem>> -> memref<128xi32, #tpu.memory_space<vmem>>
    %dma_wait3A_177 = tpu.memref_slice %arg4[%add3A_54] : memref<20480xi32, #tpu.memory_space<hbm>> -> memref<128xi32, #tpu.memory_space<hbm>>
    tpu.wait_dma2 semaphore(%arg13 : memref<!tpu.dma_semaphore, #tpu.memory_space<semaphore_mem>>) src(%dma_wait3A_177 : memref<128xi32, #tpu.memory_space<hbm>>) dst(%dma_wait3A_176 : memref<128xi32, #tpu.memory_space<vmem>>)
    %dma_start3A_178 = arith.constant 5 : i32
    %dma_start3A_179 = arith.constant 3 : i32
    %dma_start3A_180 = arith.constant 0 : i32
    %dma_start3A_181 = arith.constant 0 : i32
    %dma_start3A_182 = tpu.memref_slice %arg11[%dma_start3A_179, %dma_start3A_180, %dma_start3A_181] : memref<5x128x64xf32, #tpu.memory_space<vmem>> -> memref<1x128x64xf32, #tpu.memory_space<vmem>>
    %dma_start3A_183 = tpu.memref_squeeze %dma_start3A_182 : memref<1x128x64xf32, #tpu.memory_space<vmem>> -> memref<128x64xf32, #tpu.memory_space<vmem>>
    %dma_start3A_184 = arith.constant 0 : i32
    %dma_start3A_185 = tpu.memref_slice %arg8[%dma_start3A_178, %dma_start3A_184] : memref<7x128xi32, #tpu.memory_space<vmem>> -> memref<1x128xi32, #tpu.memory_space<vmem>>
    %dma_start3A_186 = tpu.memref_squeeze %dma_start3A_185 : memref<1x128xi32, #tpu.memory_space<vmem>> -> memref<128xi32, #tpu.memory_space<vmem>>
    %dma_start3A_187 = arith.constant 0 : i32
    %dma_start3A_188 = arith.constant 0 : i32
    %dma_start3A_189 = tpu.memref_slice %arg6[%dma_start3A_187, %dma_start3A_188] : memref<1000x64xf32, #tpu.memory_space<hbm>> -> memref<1000x64xf32, #tpu.memory_space<hbm>>
    tpu.enqueue_indirect_dma source(%dma_start3A_189 : memref<1000x64xf32, #tpu.memory_space<hbm>>) target(%dma_start3A_183 : memref<128x64xf32, #tpu.memory_space<vmem>>) offsets(%dma_start3A_186 : memref<128xi32, #tpu.memory_space<vmem>>) semaphore(%arg14 : memref<!tpu.dma_semaphore, #tpu.memory_space<semaphore_mem>>)
    %dma_wait3A_190 = arith.constant 6 : i32
    %dma_wait3A_191 = arith.constant 0 : i32
    %dma_wait3A_192 = tpu.memref_slice %arg8[%dma_wait3A_190, %dma_wait3A_191] : memref<7x128xi32, #tpu.memory_space<vmem>> -> memref<1x128xi32, #tpu.memory_space<vmem>>
    %dma_wait3A_193 = tpu.memref_squeeze %dma_wait3A_192 : memref<1x128xi32, #tpu.memory_space<vmem>> -> memref<128xi32, #tpu.memory_space<vmem>>
    %dma_wait3A_194 = tpu.memref_slice %arg4[%add3A_65] : memref<20480xi32, #tpu.memory_space<hbm>> -> memref<128xi32, #tpu.memory_space<hbm>>
    %dma_wait3A_195 = arith.constant 0 : i32
    %dma_wait3A_196 = tpu.memref_slice %arg8[%dma_wait3A_190, %dma_wait3A_195] : memref<7x128xi32, #tpu.memory_space<vmem>> -> memref<1x128xi32, #tpu.memory_space<vmem>>
    %dma_wait3A_197 = tpu.memref_squeeze %dma_wait3A_196 : memref<1x128xi32, #tpu.memory_space<vmem>> -> memref<128xi32, #tpu.memory_space<vmem>>
    %dma_wait3A_198 = tpu.memref_slice %arg4[%add3A_65] : memref<20480xi32, #tpu.memory_space<hbm>> -> memref<128xi32, #tpu.memory_space<hbm>>
    tpu.wait_dma2 semaphore(%arg13 : memref<!tpu.dma_semaphore, #tpu.memory_space<semaphore_mem>>) src(%dma_wait3A_198 : memref<128xi32, #tpu.memory_space<hbm>>) dst(%dma_wait3A_197 : memref<128xi32, #tpu.memory_space<vmem>>)
    %dma_start3A_199 = arith.constant 6 : i32
    %dma_start3A_200 = arith.constant 4 : i32
    %dma_start3A_201 = arith.constant 0 : i32
    %dma_start3A_202 = arith.constant 0 : i32
    %dma_start3A_203 = tpu.memref_slice %arg11[%dma_start3A_200, %dma_start3A_201, %dma_start3A_202] : memref<5x128x64xf32, #tpu.memory_space<vmem>> -> memref<1x128x64xf32, #tpu.memory_space<vmem>>
    %dma_start3A_204 = tpu.memref_squeeze %dma_start3A_203 : memref<1x128x64xf32, #tpu.memory_space<vmem>> -> memref<128x64xf32, #tpu.memory_space<vmem>>
    %dma_start3A_205 = arith.constant 0 : i32
    %dma_start3A_206 = tpu.memref_slice %arg8[%dma_start3A_199, %dma_start3A_205] : memref<7x128xi32, #tpu.memory_space<vmem>> -> memref<1x128xi32, #tpu.memory_space<vmem>>
    %dma_start3A_207 = tpu.memref_squeeze %dma_start3A_206 : memref<1x128xi32, #tpu.memory_space<vmem>> -> memref<128xi32, #tpu.memory_space<vmem>>
    %dma_start3A_208 = arith.constant 0 : i32
    %dma_start3A_209 = arith.constant 0 : i32
    %dma_start3A_210 = tpu.memref_slice %arg6[%dma_start3A_208, %dma_start3A_209] : memref<1000x64xf32, #tpu.memory_space<hbm>> -> memref<1000x64xf32, #tpu.memory_space<hbm>>
    tpu.enqueue_indirect_dma source(%dma_start3A_210 : memref<1000x64xf32, #tpu.memory_space<hbm>>) target(%dma_start3A_204 : memref<128x64xf32, #tpu.memory_space<vmem>>) offsets(%dma_start3A_207 : memref<128xi32, #tpu.memory_space<vmem>>) semaphore(%arg14 : memref<!tpu.dma_semaphore, #tpu.memory_space<semaphore_mem>>)
    %dma_wait3A_211 = arith.constant 0 : i32
    %dma_wait3A_212 = arith.constant 0 : i32
    %dma_wait3A_213 = tpu.memref_slice %arg8[%dma_wait3A_211, %dma_wait3A_212] : memref<7x128xi32, #tpu.memory_space<vmem>> -> memref<1x128xi32, #tpu.memory_space<vmem>>
    %dma_wait3A_214 = tpu.memref_squeeze %dma_wait3A_213 : memref<1x128xi32, #tpu.memory_space<vmem>> -> memref<128xi32, #tpu.memory_space<vmem>>
    %dma_wait3A_215 = arith.constant 0 : i32
    %dma_wait3A_216 = arith.constant 0 : i32
    %dma_wait3A_217 = tpu.memref_slice %arg5[%dma_wait3A_215, %dma_wait3A_216] : memref<1000x64xf32, #tpu.memory_space<hbm>> -> memref<1000x64xf32, #tpu.memory_space<hbm>>
    tpu.wait_indirect_dma semaphore(%arg14 : memref<!tpu.dma_semaphore, #tpu.memory_space<semaphore_mem>>) src(%dma_wait3A_217 : memref<1000x64xf32, #tpu.memory_space<hbm>>) dst(%arg9 : memref<128x64xf32, #tpu.memory_space<vmem>>)
    %dma_wait3A_218 = arith.constant 1 : i32
    %dma_wait3A_219 = arith.constant 0 : i32
    %dma_wait3A_220 = tpu.memref_slice %arg8[%dma_wait3A_218, %dma_wait3A_219] : memref<7x128xi32, #tpu.memory_space<vmem>> -> memref<1x128xi32, #tpu.memory_space<vmem>>
    %dma_wait3A_221 = tpu.memref_squeeze %dma_wait3A_220 : memref<1x128xi32, #tpu.memory_space<vmem>> -> memref<128xi32, #tpu.memory_space<vmem>>
    %dma_wait3A_222 = arith.constant 0 : i32
    %dma_wait3A_223 = arith.constant 0 : i32
    %dma_wait3A_224 = tpu.memref_slice %arg6[%dma_wait3A_222, %dma_wait3A_223] : memref<1000x64xf32, #tpu.memory_space<hbm>> -> memref<1000x64xf32, #tpu.memory_space<hbm>>
    tpu.wait_indirect_dma semaphore(%arg14 : memref<!tpu.dma_semaphore, #tpu.memory_space<semaphore_mem>>) src(%dma_wait3A_224 : memref<1000x64xf32, #tpu.memory_space<hbm>>) dst(%arg10 : memref<128x64xf32, #tpu.memory_space<vmem>>)
    %parallel_loop3A = arith.constant 0 : i32
    %parallel_loop3A_225 = arith.constant 128 : i32
    %parallel_loop3A_226 = arith.constant 1 : i32
    scf.for %parallel_loop3A_304 = %parallel_loop3A to %parallel_loop3A_225 step %parallel_loop3A_226  : i32 {
      %parallel_loop3A_305 = arith.index_cast %parallel_loop3A_304 : i32 to index
      %parallel_loop3A_306 = arith.constant 0 : index
      %parallel_loop3A_307 = tpu.vector_load %arg9[%parallel_loop3A_305, %parallel_loop3A_306] {strides = array<i32>} : memref<128x64xf32, #tpu.memory_space<vmem>>, vector<1x16xf32>,
      %parallel_loop3A_308 = vector.shape_cast %parallel_loop3A_307 : vector<1x16xf32> to vector<16xf32>
      %parallel_loop3A_309 = arith.index_cast %parallel_loop3A_304 : i32 to index
      %parallel_loop3A_310 = arith.constant 0 : index
      %parallel_loop3A_311 = tpu.vector_load %arg10[%parallel_loop3A_309, %parallel_loop3A_310] {strides = array<i32>} : memref<128x64xf32, #tpu.memory_space<vmem>>, vector<1x16xf32>,
      %parallel_loop3A_312 = vector.shape_cast %parallel_loop3A_311 : vector<1x16xf32> to vector<16xf32>
      %parallel_loop3A_313 = arith.mulf %parallel_loop3A_308, %parallel_loop3A_312 : vector<16xf32>
      %parallel_loop3A_314 = arith.index_cast %parallel_loop3A_304 : i32 to index
      %parallel_loop3A_315 = arith.constant 16 : index
      %parallel_loop3A_316 = tpu.vector_load %arg9[%parallel_loop3A_314, %parallel_loop3A_315] {strides = array<i32>} : memref<128x64xf32, #tpu.memory_space<vmem>>, vector<1x16xf32>,
      %parallel_loop3A_317 = vector.shape_cast %parallel_loop3A_316 : vector<1x16xf32> to vector<16xf32>
      %parallel_loop3A_318 = arith.index_cast %parallel_loop3A_304 : i32 to index
      %parallel_loop3A_319 = arith.constant 16 : index
      %parallel_loop3A_320 = tpu.vector_load %arg10[%parallel_loop3A_318, %parallel_loop3A_319] {strides = array<i32>} : memref<128x64xf32, #tpu.memory_space<vmem>>, vector<1x16xf32>,
      %parallel_loop3A_321 = vector.shape_cast %parallel_loop3A_320 : vector<1x16xf32> to vector<16xf32>
      %parallel_loop3A_322 = arith.mulf %parallel_loop3A_317, %parallel_loop3A_321 : vector<16xf32>
      %parallel_loop3A_323 = arith.addf %parallel_loop3A_313, %parallel_loop3A_322 : vector<16xf32>
      %parallel_loop3A_324 = arith.index_cast %parallel_loop3A_304 : i32 to index
      %parallel_loop3A_325 = arith.constant 32 : index
      %parallel_loop3A_326 = tpu.vector_load %arg9[%parallel_loop3A_324, %parallel_loop3A_325] {strides = array<i32>} : memref<128x64xf32, #tpu.memory_space<vmem>>, vector<1x16xf32>,
      %parallel_loop3A_327 = vector.shape_cast %parallel_loop3A_326 : vector<1x16xf32> to vector<16xf32>
      %parallel_loop3A_328 = arith.index_cast %parallel_loop3A_304 : i32 to index
      %parallel_loop3A_329 = arith.constant 32 : index
      %parallel_loop3A_330 = tpu.vector_load %arg10[%parallel_loop3A_328, %parallel_loop3A_329] {strides = array<i32>} : memref<128x64xf32, #tpu.memory_space<vmem>>, vector<1x16xf32>,
      %parallel_loop3A_331 = vector.shape_cast %parallel_loop3A_330 : vector<1x16xf32> to vector<16xf32>
      %parallel_loop3A_332 = arith.mulf %parallel_loop3A_327, %parallel_loop3A_331 : vector<16xf32>
      %parallel_loop3A_333 = arith.addf %parallel_loop3A_323, %parallel_loop3A_332 : vector<16xf32>
      %parallel_loop3A_334 = arith.index_cast %parallel_loop3A_304 : i32 to index
      %parallel_loop3A_335 = arith.constant 48 : index
      %parallel_loop3A_336 = tpu.vector_load %arg9[%parallel_loop3A_334, %parallel_loop3A_335] {strides = array<i32>} : memref<128x64xf32, #tpu.memory_space<vmem>>, vector<1x16xf32>,
      %parallel_loop3A_337 = vector.shape_cast %parallel_loop3A_336 : vector<1x16xf32> to vector<16xf32>
      %parallel_loop3A_338 = arith.index_cast %parallel_loop3A_304 : i32 to index
      %parallel_loop3A_339 = arith.constant 48 : index
      %parallel_loop3A_340 = tpu.vector_load %arg10[%parallel_loop3A_338, %parallel_loop3A_339] {strides = array<i32>} : memref<128x64xf32, #tpu.memory_space<vmem>>, vector<1x16xf32>,
      %parallel_loop3A_341 = vector.shape_cast %parallel_loop3A_340 : vector<1x16xf32> to vector<16xf32>
      %parallel_loop3A_342 = arith.mulf %parallel_loop3A_337, %parallel_loop3A_341 : vector<16xf32>
      %parallel_loop3A_343 = arith.addf %parallel_loop3A_333, %parallel_loop3A_342 : vector<16xf32>
      %parallel_loop3A_344 = arith.constant 0 : i32
      %parallel_loop3A_345 = arith.index_cast %parallel_loop3A_344 : i32 to index
      %parallel_loop3A_346 = arith.index_cast %parallel_loop3A_304 : i32 to index
      %parallel_loop3A_347 = arith.constant 0 : index
      %parallel_loop3A_348 = tpu.vector_load %arg12[%parallel_loop3A_345, %parallel_loop3A_346, %parallel_loop3A_347] {strides = array<i32>} : memref<6x128x16xf32, #tpu.memory_space<vmem>>, vector<1x1x16xf32>,
      %parallel_loop3A_349 = vector.shape_cast %parallel_loop3A_348 : vector<1x1x16xf32> to vector<16xf32>
      %parallel_loop3A_350 = vector.shape_cast %parallel_loop3A_343 : vector<16xf32> to vector<1x1x16xf32>
      tpu.vector_store %arg12[%parallel_loop3A_345, %parallel_loop3A_346, %parallel_loop3A_347], %parallel_loop3A_350 {strides = array<i32>} : memref<6x128x16xf32, #tpu.memory_space<vmem>>, vector<1x1x16xf32>,
    } {sc.loop_unroll_factor = 4 : i64, sc.parallel_access}
    %dma_wait3A_227 = arith.constant 2 : i32
    %dma_wait3A_228 = arith.constant 0 : i32
    %dma_wait3A_229 = arith.constant 0 : i32
    %dma_wait3A_230 = arith.constant 0 : i32
    %dma_wait3A_231 = tpu.memref_slice %arg11[%dma_wait3A_228, %dma_wait3A_229, %dma_wait3A_230] : memref<5x128x64xf32, #tpu.memory_space<vmem>> -> memref<1x128x64xf32, #tpu.memory_space<vmem>>
    %dma_wait3A_232 = tpu.memref_squeeze %dma_wait3A_231 : memref<1x128x64xf32, #tpu.memory_space<vmem>> -> memref<128x64xf32, #tpu.memory_space<vmem>>
    %dma_wait3A_233 = arith.constant 0 : i32
    %dma_wait3A_234 = tpu.memref_slice %arg8[%dma_wait3A_227, %dma_wait3A_233] : memref<7x128xi32, #tpu.memory_space<vmem>> -> memref<1x128xi32, #tpu.memory_space<vmem>>
    %dma_wait3A_235 = tpu.memref_squeeze %dma_wait3A_234 : memref<1x128xi32, #tpu.memory_space<vmem>> -> memref<128xi32, #tpu.memory_space<vmem>>
    %dma_wait3A_236 = arith.constant 0 : i32
    %dma_wait3A_237 = arith.constant 0 : i32
    %dma_wait3A_238 = tpu.memref_slice %arg6[%dma_wait3A_236, %dma_wait3A_237] : memref<1000x64xf32, #tpu.memory_space<hbm>> -> memref<1000x64xf32, #tpu.memory_space<hbm>>
    tpu.wait_indirect_dma semaphore(%arg14 : memref<!tpu.dma_semaphore, #tpu.memory_space<semaphore_mem>>) src(%dma_wait3A_238 : memref<1000x64xf32, #tpu.memory_space<hbm>>) dst(%dma_wait3A_232 : memref<128x64xf32, #tpu.memory_space<vmem>>)
    %parallel_loop3A_239 = arith.constant 0 : i32
    %parallel_loop3A_240 = arith.constant 128 : i32
    %parallel_loop3A_241 = arith.constant 1 : i32
    scf.for %parallel_loop3A_304 = %parallel_loop3A_239 to %parallel_loop3A_240 step %parallel_loop3A_241  : i32 {
      %parallel_loop3A_305 = arith.index_cast %parallel_loop3A_304 : i32 to index
      %parallel_loop3A_306 = arith.constant 0 : index
      %parallel_loop3A_307 = tpu.vector_load %arg9[%parallel_loop3A_305, %parallel_loop3A_306] {strides = array<i32>} : memref<128x64xf32, #tpu.memory_space<vmem>>, vector<1x16xf32>,
      %parallel_loop3A_308 = vector.shape_cast %parallel_loop3A_307 : vector<1x16xf32> to vector<16xf32>
      %parallel_loop3A_309 = arith.constant 0 : i32
      %parallel_loop3A_310 = arith.index_cast %parallel_loop3A_309 : i32 to index
      %parallel_loop3A_311 = arith.index_cast %parallel_loop3A_304 : i32 to index
      %parallel_loop3A_312 = arith.constant 0 : index
      %parallel_loop3A_313 = tpu.vector_load %arg11[%parallel_loop3A_310, %parallel_loop3A_311, %parallel_loop3A_312] {strides = array<i32>} : memref<5x128x64xf32, #tpu.memory_space<vmem>>, vector<1x1x16xf32>,
      %parallel_loop3A_314 = vector.shape_cast %parallel_loop3A_313 : vector<1x1x16xf32> to vector<16xf32>
      %parallel_loop3A_315 = arith.mulf %parallel_loop3A_308, %parallel_loop3A_314 : vector<16xf32>
      %parallel_loop3A_316 = arith.index_cast %parallel_loop3A_304 : i32 to index
      %parallel_loop3A_317 = arith.constant 16 : index
      %parallel_loop3A_318 = tpu.vector_load %arg9[%parallel_loop3A_316, %parallel_loop3A_317] {strides = array<i32>} : memref<128x64xf32, #tpu.memory_space<vmem>>, vector<1x16xf32>,
      %parallel_loop3A_319 = vector.shape_cast %parallel_loop3A_318 : vector<1x16xf32> to vector<16xf32>
      %parallel_loop3A_320 = arith.constant 0 : i32
      %parallel_loop3A_321 = arith.index_cast %parallel_loop3A_320 : i32 to index
      %parallel_loop3A_322 = arith.index_cast %parallel_loop3A_304 : i32 to index
      %parallel_loop3A_323 = arith.constant 16 : index
      %parallel_loop3A_324 = tpu.vector_load %arg11[%parallel_loop3A_321, %parallel_loop3A_322, %parallel_loop3A_323] {strides = array<i32>} : memref<5x128x64xf32, #tpu.memory_space<vmem>>, vector<1x1x16xf32>,
      %parallel_loop3A_325 = vector.shape_cast %parallel_loop3A_324 : vector<1x1x16xf32> to vector<16xf32>
      %parallel_loop3A_326 = arith.mulf %parallel_loop3A_319, %parallel_loop3A_325 : vector<16xf32>
      %parallel_loop3A_327 = arith.addf %parallel_loop3A_315, %parallel_loop3A_326 : vector<16xf32>
      %parallel_loop3A_328 = arith.index_cast %parallel_loop3A_304 : i32 to index
      %parallel_loop3A_329 = arith.constant 32 : index
      %parallel_loop3A_330 = tpu.vector_load %arg9[%parallel_loop3A_328, %parallel_loop3A_329] {strides = array<i32>} : memref<128x64xf32, #tpu.memory_space<vmem>>, vector<1x16xf32>,
      %parallel_loop3A_331 = vector.shape_cast %parallel_loop3A_330 : vector<1x16xf32> to vector<16xf32>
      %parallel_loop3A_332 = arith.constant 0 : i32
      %parallel_loop3A_333 = arith.index_cast %parallel_loop3A_332 : i32 to index
      %parallel_loop3A_334 = arith.index_cast %parallel_loop3A_304 : i32 to index
      %parallel_loop3A_335 = arith.constant 32 : index
      %parallel_loop3A_336 = tpu.vector_load %arg11[%parallel_loop3A_333, %parallel_loop3A_334, %parallel_loop3A_335] {strides = array<i32>} : memref<5x128x64xf32, #tpu.memory_space<vmem>>, vector<1x1x16xf32>,
      %parallel_loop3A_337 = vector.shape_cast %parallel_loop3A_336 : vector<1x1x16xf32> to vector<16xf32>
      %parallel_loop3A_338 = arith.mulf %parallel_loop3A_331, %parallel_loop3A_337 : vector<16xf32>
      %parallel_loop3A_339 = arith.addf %parallel_loop3A_327, %parallel_loop3A_338 : vector<16xf32>
      %parallel_loop3A_340 = arith.index_cast %parallel_loop3A_304 : i32 to index
      %parallel_loop3A_341 = arith.constant 48 : index
      %parallel_loop3A_342 = tpu.vector_load %arg9[%parallel_loop3A_340, %parallel_loop3A_341] {strides = array<i32>} : memref<128x64xf32, #tpu.memory_space<vmem>>, vector<1x16xf32>,
      %parallel_loop3A_343 = vector.shape_cast %parallel_loop3A_342 : vector<1x16xf32> to vector<16xf32>
      %parallel_loop3A_344 = arith.constant 0 : i32
      %parallel_loop3A_345 = arith.index_cast %parallel_loop3A_344 : i32 to index
      %parallel_loop3A_346 = arith.index_cast %parallel_loop3A_304 : i32 to index
      %parallel_loop3A_347 = arith.constant 48 : index
      %parallel_loop3A_348 = tpu.vector_load %arg11[%parallel_loop3A_345, %parallel_loop3A_346, %parallel_loop3A_347] {strides = array<i32>} : memref<5x128x64xf32, #tpu.memory_space<vmem>>, vector<1x1x16xf32>,
      %parallel_loop3A_349 = vector.shape_cast %parallel_loop3A_348 : vector<1x1x16xf32> to vector<16xf32>
      %parallel_loop3A_350 = arith.mulf %parallel_loop3A_343, %parallel_loop3A_349 : vector<16xf32>
      %parallel_loop3A_351 = arith.addf %parallel_loop3A_339, %parallel_loop3A_350 : vector<16xf32>
      %parallel_loop3A_352 = arith.constant 1 : i32
      %parallel_loop3A_353 = arith.index_cast %parallel_loop3A_352 : i32 to index
      %parallel_loop3A_354 = arith.index_cast %parallel_loop3A_304 : i32 to index
      %parallel_loop3A_355 = arith.constant 0 : index
      %parallel_loop3A_356 = tpu.vector_load %arg12[%parallel_loop3A_353, %parallel_loop3A_354, %parallel_loop3A_355] {strides = array<i32>} : memref<6x128x16xf32, #tpu.memory_space<vmem>>, vector<1x1x16xf32>,
      %parallel_loop3A_357 = vector.shape_cast %parallel_loop3A_356 : vector<1x1x16xf32> to vector<16xf32>
      %parallel_loop3A_358 = vector.shape_cast %parallel_loop3A_351 : vector<16xf32> to vector<1x1x16xf32>
      tpu.vector_store %arg12[%parallel_loop3A_353, %parallel_loop3A_354, %parallel_loop3A_355], %parallel_loop3A_358 {strides = array<i32>} : memref<6x128x16xf32, #tpu.memory_space<vmem>>, vector<1x1x16xf32>,
    } {sc.loop_unroll_factor = 4 : i64, sc.parallel_access}
    %dma_wait3A_242 = arith.constant 3 : i32
    %dma_wait3A_243 = arith.constant 1 : i32
    %dma_wait3A_244 = arith.constant 0 : i32
    %dma_wait3A_245 = arith.constant 0 : i32
    %dma_wait3A_246 = tpu.memref_slice %arg11[%dma_wait3A_243, %dma_wait3A_244, %dma_wait3A_245] : memref<5x128x64xf32, #tpu.memory_space<vmem>> -> memref<1x128x64xf32, #tpu.memory_space<vmem>>
    %dma_wait3A_247 = tpu.memref_squeeze %dma_wait3A_246 : memref<1x128x64xf32, #tpu.memory_space<vmem>> -> memref<128x64xf32, #tpu.memory_space<vmem>>
    %dma_wait3A_248 = arith.constant 0 : i32
    %dma_wait3A_249 = tpu.memref_slice %arg8[%dma_wait3A_242, %dma_wait3A_248] : memref<7x128xi32, #tpu.memory_space<vmem>> -> memref<1x128xi32, #tpu.memory_space<vmem>>
    %dma_wait3A_250 = tpu.memref_squeeze %dma_wait3A_249 : memref<1x128xi32, #tpu.memory_space<vmem>> -> memref<128xi32, #tpu.memory_space<vmem>>
    %dma_wait3A_251 = arith.constant 0 : i32
    %dma_wait3A_252 = arith.constant 0 : i32
    %dma_wait3A_253 = tpu.memref_slice %arg6[%dma_wait3A_251, %dma_wait3A_252] : memref<1000x64xf32, #tpu.memory_space<hbm>> -> memref<1000x64xf32, #tpu.memory_space<hbm>>
    tpu.wait_indirect_dma semaphore(%arg14 : memref<!tpu.dma_semaphore, #tpu.memory_space<semaphore_mem>>) src(%dma_wait3A_253 : memref<1000x64xf32, #tpu.memory_space<hbm>>) dst(%dma_wait3A_247 : memref<128x64xf32, #tpu.memory_space<vmem>>)
    %parallel_loop3A_254 = arith.constant 0 : i32
    %parallel_loop3A_255 = arith.constant 128 : i32
    %parallel_loop3A_256 = arith.constant 1 : i32
    scf.for %parallel_loop3A_304 = %parallel_loop3A_254 to %parallel_loop3A_255 step %parallel_loop3A_256  : i32 {
      %parallel_loop3A_305 = arith.index_cast %parallel_loop3A_304 : i32 to index
      %parallel_loop3A_306 = arith.constant 0 : index
      %parallel_loop3A_307 = tpu.vector_load %arg9[%parallel_loop3A_305, %parallel_loop3A_306] {strides = array<i32>} : memref<128x64xf32, #tpu.memory_space<vmem>>, vector<1x16xf32>,
      %parallel_loop3A_308 = vector.shape_cast %parallel_loop3A_307 : vector<1x16xf32> to vector<16xf32>
      %parallel_loop3A_309 = arith.constant 1 : i32
      %parallel_loop3A_310 = arith.index_cast %parallel_loop3A_309 : i32 to index
      %parallel_loop3A_311 = arith.index_cast %parallel_loop3A_304 : i32 to index
      %parallel_loop3A_312 = arith.constant 0 : index
      %parallel_loop3A_313 = tpu.vector_load %arg11[%parallel_loop3A_310, %parallel_loop3A_311, %parallel_loop3A_312] {strides = array<i32>} : memref<5x128x64xf32, #tpu.memory_space<vmem>>, vector<1x1x16xf32>,
      %parallel_loop3A_314 = vector.shape_cast %parallel_loop3A_313 : vector<1x1x16xf32> to vector<16xf32>
      %parallel_loop3A_315 = arith.mulf %parallel_loop3A_308, %parallel_loop3A_314 : vector<16xf32>
      %parallel_loop3A_316 = arith.index_cast %parallel_loop3A_304 : i32 to index
      %parallel_loop3A_317 = arith.constant 16 : index
      %parallel_loop3A_318 = tpu.vector_load %arg9[%parallel_loop3A_316, %parallel_loop3A_317] {strides = array<i32>} : memref<128x64xf32, #tpu.memory_space<vmem>>, vector<1x16xf32>,
      %parallel_loop3A_319 = vector.shape_cast %parallel_loop3A_318 : vector<1x16xf32> to vector<16xf32>
      %parallel_loop3A_320 = arith.constant 1 : i32
      %parallel_loop3A_321 = arith.index_cast %parallel_loop3A_320 : i32 to index
      %parallel_loop3A_322 = arith.index_cast %parallel_loop3A_304 : i32 to index
      %parallel_loop3A_323 = arith.constant 16 : index
      %parallel_loop3A_324 = tpu.vector_load %arg11[%parallel_loop3A_321, %parallel_loop3A_322, %parallel_loop3A_323] {strides = array<i32>} : memref<5x128x64xf32, #tpu.memory_space<vmem>>, vector<1x1x16xf32>,
      %parallel_loop3A_325 = vector.shape_cast %parallel_loop3A_324 : vector<1x1x16xf32> to vector<16xf32>
      %parallel_loop3A_326 = arith.mulf %parallel_loop3A_319, %parallel_loop3A_325 : vector<16xf32>
      %parallel_loop3A_327 = arith.addf %parallel_loop3A_315, %parallel_loop3A_326 : vector<16xf32>
      %parallel_loop3A_328 = arith.index_cast %parallel_loop3A_304 : i32 to index
      %parallel_loop3A_329 = arith.constant 32 : index
      %parallel_loop3A_330 = tpu.vector_load %arg9[%parallel_loop3A_328, %parallel_loop3A_329] {strides = array<i32>} : memref<128x64xf32, #tpu.memory_space<vmem>>, vector<1x16xf32>,
      %parallel_loop3A_331 = vector.shape_cast %parallel_loop3A_330 : vector<1x16xf32> to vector<16xf32>
      %parallel_loop3A_332 = arith.constant 1 : i32
      %parallel_loop3A_333 = arith.index_cast %parallel_loop3A_332 : i32 to index
      %parallel_loop3A_334 = arith.index_cast %parallel_loop3A_304 : i32 to index
      %parallel_loop3A_335 = arith.constant 32 : index
      %parallel_loop3A_336 = tpu.vector_load %arg11[%parallel_loop3A_333, %parallel_loop3A_334, %parallel_loop3A_335] {strides = array<i32>} : memref<5x128x64xf32, #tpu.memory_space<vmem>>, vector<1x1x16xf32>,
      %parallel_loop3A_337 = vector.shape_cast %parallel_loop3A_336 : vector<1x1x16xf32> to vector<16xf32>
      %parallel_loop3A_338 = arith.mulf %parallel_loop3A_331, %parallel_loop3A_337 : vector<16xf32>
      %parallel_loop3A_339 = arith.addf %parallel_loop3A_327, %parallel_loop3A_338 : vector<16xf32>
      %parallel_loop3A_340 = arith.index_cast %parallel_loop3A_304 : i32 to index
      %parallel_loop3A_341 = arith.constant 48 : index
      %parallel_loop3A_342 = tpu.vector_load %arg9[%parallel_loop3A_340, %parallel_loop3A_341] {strides = array<i32>} : memref<128x64xf32, #tpu.memory_space<vmem>>, vector<1x16xf32>,
      %parallel_loop3A_343 = vector.shape_cast %parallel_loop3A_342 : vector<1x16xf32> to vector<16xf32>
      %parallel_loop3A_344 = arith.constant 1 : i32
      %parallel_loop3A_345 = arith.index_cast %parallel_loop3A_344 : i32 to index
      %parallel_loop3A_346 = arith.index_cast %parallel_loop3A_304 : i32 to index
      %parallel_loop3A_347 = arith.constant 48 : index
      %parallel_loop3A_348 = tpu.vector_load %arg11[%parallel_loop3A_345, %parallel_loop3A_346, %parallel_loop3A_347] {strides = array<i32>} : memref<5x128x64xf32, #tpu.memory_space<vmem>>, vector<1x1x16xf32>,
      %parallel_loop3A_349 = vector.shape_cast %parallel_loop3A_348 : vector<1x1x16xf32> to vector<16xf32>
      %parallel_loop3A_350 = arith.mulf %parallel_loop3A_343, %parallel_loop3A_349 : vector<16xf32>
      %parallel_loop3A_351 = arith.addf %parallel_loop3A_339, %parallel_loop3A_350 : vector<16xf32>
      %parallel_loop3A_352 = arith.constant 2 : i32
      %parallel_loop3A_353 = arith.index_cast %parallel_loop3A_352 : i32 to index
      %parallel_loop3A_354 = arith.index_cast %parallel_loop3A_304 : i32 to index
      %parallel_loop3A_355 = arith.constant 0 : index
      %parallel_loop3A_356 = tpu.vector_load %arg12[%parallel_loop3A_353, %parallel_loop3A_354, %parallel_loop3A_355] {strides = array<i32>} : memref<6x128x16xf32, #tpu.memory_space<vmem>>, vector<1x1x16xf32>,
      %parallel_loop3A_357 = vector.shape_cast %parallel_loop3A_356 : vector<1x1x16xf32> to vector<16xf32>
      %parallel_loop3A_358 = vector.shape_cast %parallel_loop3A_351 : vector<16xf32> to vector<1x1x16xf32>
      tpu.vector_store %arg12[%parallel_loop3A_353, %parallel_loop3A_354, %parallel_loop3A_355], %parallel_loop3A_358 {strides = array<i32>} : memref<6x128x16xf32, #tpu.memory_space<vmem>>, vector<1x1x16xf32>,
    } {sc.loop_unroll_factor = 4 : i64, sc.parallel_access}
    %dma_wait3A_257 = arith.constant 4 : i32
    %dma_wait3A_258 = arith.constant 2 : i32
    %dma_wait3A_259 = arith.constant 0 : i32
    %dma_wait3A_260 = arith.constant 0 : i32
    %dma_wait3A_261 = tpu.memref_slice %arg11[%dma_wait3A_258, %dma_wait3A_259, %dma_wait3A_260] : memref<5x128x64xf32, #tpu.memory_space<vmem>> -> memref<1x128x64xf32, #tpu.memory_space<vmem>>
    %dma_wait3A_262 = tpu.memref_squeeze %dma_wait3A_261 : memref<1x128x64xf32, #tpu.memory_space<vmem>> -> memref<128x64xf32, #tpu.memory_space<vmem>>
    %dma_wait3A_263 = arith.constant 0 : i32
    %dma_wait3A_264 = tpu.memref_slice %arg8[%dma_wait3A_257, %dma_wait3A_263] : memref<7x128xi32, #tpu.memory_space<vmem>> -> memref<1x128xi32, #tpu.memory_space<vmem>>
    %dma_wait3A_265 = tpu.memref_squeeze %dma_wait3A_264 : memref<1x128xi32, #tpu.memory_space<vmem>> -> memref<128xi32, #tpu.memory_space<vmem>>
    %dma_wait3A_266 = arith.constant 0 : i32
    %dma_wait3A_267 = arith.constant 0 : i32
    %dma_wait3A_268 = tpu.memref_slice %arg6[%dma_wait3A_266, %dma_wait3A_267] : memref<1000x64xf32, #tpu.memory_space<hbm>> -> memref<1000x64xf32, #tpu.memory_space<hbm>>
    tpu.wait_indirect_dma semaphore(%arg14 : memref<!tpu.dma_semaphore, #tpu.memory_space<semaphore_mem>>) src(%dma_wait3A_268 : memref<1000x64xf32, #tpu.memory_space<hbm>>) dst(%dma_wait3A_262 : memref<128x64xf32, #tpu.memory_space<vmem>>)
    %parallel_loop3A_269 = arith.constant 0 : i32
    %parallel_loop3A_270 = arith.constant 128 : i32
    %parallel_loop3A_271 = arith.constant 1 : i32
    scf.for %parallel_loop3A_304 = %parallel_loop3A_269 to %parallel_loop3A_270 step %parallel_loop3A_271  : i32 {
      %parallel_loop3A_305 = arith.index_cast %parallel_loop3A_304 : i32 to index
      %parallel_loop3A_306 = arith.constant 0 : index
      %parallel_loop3A_307 = tpu.vector_load %arg9[%parallel_loop3A_305, %parallel_loop3A_306] {strides = array<i32>} : memref<128x64xf32, #tpu.memory_space<vmem>>, vector<1x16xf32>,
      %parallel_loop3A_308 = vector.shape_cast %parallel_loop3A_307 : vector<1x16xf32> to vector<16xf32>
      %parallel_loop3A_309 = arith.constant 2 : i32
      %parallel_loop3A_310 = arith.index_cast %parallel_loop3A_309 : i32 to index
      %parallel_loop3A_311 = arith.index_cast %parallel_loop3A_304 : i32 to index
      %parallel_loop3A_312 = arith.constant 0 : index
      %parallel_loop3A_313 = tpu.vector_load %arg11[%parallel_loop3A_310, %parallel_loop3A_311, %parallel_loop3A_312] {strides = array<i32>} : memref<5x128x64xf32, #tpu.memory_space<vmem>>, vector<1x1x16xf32>,
      %parallel_loop3A_314 = vector.shape_cast %parallel_loop3A_313 : vector<1x1x16xf32> to vector<16xf32>
      %parallel_loop3A_315 = arith.mulf %parallel_loop3A_308, %parallel_loop3A_314 : vector<16xf32>
      %parallel_loop3A_316 = arith.index_cast %parallel_loop3A_304 : i32 to index
      %parallel_loop3A_317 = arith.constant 16 : index
      %parallel_loop3A_318 = tpu.vector_load %arg9[%parallel_loop3A_316, %parallel_loop3A_317] {strides = array<i32>} : memref<128x64xf32, #tpu.memory_space<vmem>>, vector<1x16xf32>,
      %parallel_loop3A_319 = vector.shape_cast %parallel_loop3A_318 : vector<1x16xf32> to vector<16xf32>
      %parallel_loop3A_320 = arith.constant 2 : i32
      %parallel_loop3A_321 = arith.index_cast %parallel_loop3A_320 : i32 to index
      %parallel_loop3A_322 = arith.index_cast %parallel_loop3A_304 : i32 to index
      %parallel_loop3A_323 = arith.constant 16 : index
      %parallel_loop3A_324 = tpu.vector_load %arg11[%parallel_loop3A_321, %parallel_loop3A_322, %parallel_loop3A_323] {strides = array<i32>} : memref<5x128x64xf32, #tpu.memory_space<vmem>>, vector<1x1x16xf32>,
      %parallel_loop3A_325 = vector.shape_cast %parallel_loop3A_324 : vector<1x1x16xf32> to vector<16xf32>
      %parallel_loop3A_326 = arith.mulf %parallel_loop3A_319, %parallel_loop3A_325 : vector<16xf32>
      %parallel_loop3A_327 = arith.addf %parallel_loop3A_315, %parallel_loop3A_326 : vector<16xf32>
      %parallel_loop3A_328 = arith.index_cast %parallel_loop3A_304 : i32 to index
      %parallel_loop3A_329 = arith.constant 32 : index
      %parallel_loop3A_330 = tpu.vector_load %arg9[%parallel_loop3A_328, %parallel_loop3A_329] {strides = array<i32>} : memref<128x64xf32, #tpu.memory_space<vmem>>, vector<1x16xf32>,
      %parallel_loop3A_331 = vector.shape_cast %parallel_loop3A_330 : vector<1x16xf32> to vector<16xf32>
      %parallel_loop3A_332 = arith.constant 2 : i32
      %parallel_loop3A_333 = arith.index_cast %parallel_loop3A_332 : i32 to index
      %parallel_loop3A_334 = arith.index_cast %parallel_loop3A_304 : i32 to index
      %parallel_loop3A_335 = arith.constant 32 : index
      %parallel_loop3A_336 = tpu.vector_load %arg11[%parallel_loop3A_333, %parallel_loop3A_334, %parallel_loop3A_335] {strides = array<i32>} : memref<5x128x64xf32, #tpu.memory_space<vmem>>, vector<1x1x16xf32>,
      %parallel_loop3A_337 = vector.shape_cast %parallel_loop3A_336 : vector<1x1x16xf32> to vector<16xf32>
      %parallel_loop3A_338 = arith.mulf %parallel_loop3A_331, %parallel_loop3A_337 : vector<16xf32>
      %parallel_loop3A_339 = arith.addf %parallel_loop3A_327, %parallel_loop3A_338 : vector<16xf32>
      %parallel_loop3A_340 = arith.index_cast %parallel_loop3A_304 : i32 to index
      %parallel_loop3A_341 = arith.constant 48 : index
      %parallel_loop3A_342 = tpu.vector_load %arg9[%parallel_loop3A_340, %parallel_loop3A_341] {strides = array<i32>} : memref<128x64xf32, #tpu.memory_space<vmem>>, vector<1x16xf32>,
      %parallel_loop3A_343 = vector.shape_cast %parallel_loop3A_342 : vector<1x16xf32> to vector<16xf32>
      %parallel_loop3A_344 = arith.constant 2 : i32
      %parallel_loop3A_345 = arith.index_cast %parallel_loop3A_344 : i32 to index
      %parallel_loop3A_346 = arith.index_cast %parallel_loop3A_304 : i32 to index
      %parallel_loop3A_347 = arith.constant 48 : index
      %parallel_loop3A_348 = tpu.vector_load %arg11[%parallel_loop3A_345, %parallel_loop3A_346, %parallel_loop3A_347] {strides = array<i32>} : memref<5x128x64xf32, #tpu.memory_space<vmem>>, vector<1x1x16xf32>,
      %parallel_loop3A_349 = vector.shape_cast %parallel_loop3A_348 : vector<1x1x16xf32> to vector<16xf32>
      %parallel_loop3A_350 = arith.mulf %parallel_loop3A_343, %parallel_loop3A_349 : vector<16xf32>
      %parallel_loop3A_351 = arith.addf %parallel_loop3A_339, %parallel_loop3A_350 : vector<16xf32>
      %parallel_loop3A_352 = arith.constant 3 : i32
      %parallel_loop3A_353 = arith.index_cast %parallel_loop3A_352 : i32 to index
      %parallel_loop3A_354 = arith.index_cast %parallel_loop3A_304 : i32 to index
      %parallel_loop3A_355 = arith.constant 0 : index
      %parallel_loop3A_356 = tpu.vector_load %arg12[%parallel_loop3A_353, %parallel_loop3A_354, %parallel_loop3A_355] {strides = array<i32>} : memref<6x128x16xf32, #tpu.memory_space<vmem>>, vector<1x1x16xf32>,
      %parallel_loop3A_357 = vector.shape_cast %parallel_loop3A_356 : vector<1x1x16xf32> to vector<16xf32>
      %parallel_loop3A_358 = vector.shape_cast %parallel_loop3A_351 : vector<16xf32> to vector<1x1x16xf32>
      tpu.vector_store %arg12[%parallel_loop3A_353, %parallel_loop3A_354, %parallel_loop3A_355], %parallel_loop3A_358 {strides = array<i32>} : memref<6x128x16xf32, #tpu.memory_space<vmem>>, vector<1x1x16xf32>,
    } {sc.loop_unroll_factor = 4 : i64, sc.parallel_access}
    %dma_wait3A_272 = arith.constant 5 : i32
    %dma_wait3A_273 = arith.constant 3 : i32
    %dma_wait3A_274 = arith.constant 0 : i32
    %dma_wait3A_275 = arith.constant 0 : i32
    %dma_wait3A_276 = tpu.memref_slice %arg11[%dma_wait3A_273, %dma_wait3A_274, %dma_wait3A_275] : memref<5x128x64xf32, #tpu.memory_space<vmem>> -> memref<1x128x64xf32, #tpu.memory_space<vmem>>
    %dma_wait3A_277 = tpu.memref_squeeze %dma_wait3A_276 : memref<1x128x64xf32, #tpu.memory_space<vmem>> -> memref<128x64xf32, #tpu.memory_space<vmem>>
    %dma_wait3A_278 = arith.constant 0 : i32
    %dma_wait3A_279 = tpu.memref_slice %arg8[%dma_wait3A_272, %dma_wait3A_278] : memref<7x128xi32, #tpu.memory_space<vmem>> -> memref<1x128xi32, #tpu.memory_space<vmem>>
    %dma_wait3A_280 = tpu.memref_squeeze %dma_wait3A_279 : memref<1x128xi32, #tpu.memory_space<vmem>> -> memref<128xi32, #tpu.memory_space<vmem>>
    %dma_wait3A_281 = arith.constant 0 : i32
    %dma_wait3A_282 = arith.constant 0 : i32
    %dma_wait3A_283 = tpu.memref_slice %arg6[%dma_wait3A_281, %dma_wait3A_282] : memref<1000x64xf32, #tpu.memory_space<hbm>> -> memref<1000x64xf32, #tpu.memory_space<hbm>>
    tpu.wait_indirect_dma semaphore(%arg14 : memref<!tpu.dma_semaphore, #tpu.memory_space<semaphore_mem>>) src(%dma_wait3A_283 : memref<1000x64xf32, #tpu.memory_space<hbm>>) dst(%dma_wait3A_277 : memref<128x64xf32, #tpu.memory_space<vmem>>)
    %parallel_loop3A_284 = arith.constant 0 : i32
    %parallel_loop3A_285 = arith.constant 128 : i32
    %parallel_loop3A_286 = arith.constant 1 : i32
    scf.for %parallel_loop3A_304 = %parallel_loop3A_284 to %parallel_loop3A_285 step %parallel_loop3A_286  : i32 {
      %parallel_loop3A_305 = arith.index_cast %parallel_loop3A_304 : i32 to index
      %parallel_loop3A_306 = arith.constant 0 : index
      %parallel_loop3A_307 = tpu.vector_load %arg9[%parallel_loop3A_305, %parallel_loop3A_306] {strides = array<i32>} : memref<128x64xf32, #tpu.memory_space<vmem>>, vector<1x16xf32>,
      %parallel_loop3A_308 = vector.shape_cast %parallel_loop3A_307 : vector<1x16xf32> to vector<16xf32>
      %parallel_loop3A_309 = arith.constant 3 : i32
      %parallel_loop3A_310 = arith.index_cast %parallel_loop3A_309 : i32 to index
      %parallel_loop3A_311 = arith.index_cast %parallel_loop3A_304 : i32 to index
      %parallel_loop3A_312 = arith.constant 0 : index
      %parallel_loop3A_313 = tpu.vector_load %arg11[%parallel_loop3A_310, %parallel_loop3A_311, %parallel_loop3A_312] {strides = array<i32>} : memref<5x128x64xf32, #tpu.memory_space<vmem>>, vector<1x1x16xf32>,
      %parallel_loop3A_314 = vector.shape_cast %parallel_loop3A_313 : vector<1x1x16xf32> to vector<16xf32>
      %parallel_loop3A_315 = arith.mulf %parallel_loop3A_308, %parallel_loop3A_314 : vector<16xf32>
      %parallel_loop3A_316 = arith.index_cast %parallel_loop3A_304 : i32 to index
      %parallel_loop3A_317 = arith.constant 16 : index
      %parallel_loop3A_318 = tpu.vector_load %arg9[%parallel_loop3A_316, %parallel_loop3A_317] {strides = array<i32>} : memref<128x64xf32, #tpu.memory_space<vmem>>, vector<1x16xf32>,
      %parallel_loop3A_319 = vector.shape_cast %parallel_loop3A_318 : vector<1x16xf32> to vector<16xf32>
      %parallel_loop3A_320 = arith.constant 3 : i32
      %parallel_loop3A_321 = arith.index_cast %parallel_loop3A_320 : i32 to index
      %parallel_loop3A_322 = arith.index_cast %parallel_loop3A_304 : i32 to index
      %parallel_loop3A_323 = arith.constant 16 : index
      %parallel_loop3A_324 = tpu.vector_load %arg11[%parallel_loop3A_321, %parallel_loop3A_322, %parallel_loop3A_323] {strides = array<i32>} : memref<5x128x64xf32, #tpu.memory_space<vmem>>, vector<1x1x16xf32>,
      %parallel_loop3A_325 = vector.shape_cast %parallel_loop3A_324 : vector<1x1x16xf32> to vector<16xf32>
      %parallel_loop3A_326 = arith.mulf %parallel_loop3A_319, %parallel_loop3A_325 : vector<16xf32>
      %parallel_loop3A_327 = arith.addf %parallel_loop3A_315, %parallel_loop3A_326 : vector<16xf32>
      %parallel_loop3A_328 = arith.index_cast %parallel_loop3A_304 : i32 to index
      %parallel_loop3A_329 = arith.constant 32 : index
      %parallel_loop3A_330 = tpu.vector_load %arg9[%parallel_loop3A_328, %parallel_loop3A_329] {strides = array<i32>} : memref<128x64xf32, #tpu.memory_space<vmem>>, vector<1x16xf32>,
      %parallel_loop3A_331 = vector.shape_cast %parallel_loop3A_330 : vector<1x16xf32> to vector<16xf32>
      %parallel_loop3A_332 = arith.constant 3 : i32
      %parallel_loop3A_333 = arith.index_cast %parallel_loop3A_332 : i32 to index
      %parallel_loop3A_334 = arith.index_cast %parallel_loop3A_304 : i32 to index
      %parallel_loop3A_335 = arith.constant 32 : index
      %parallel_loop3A_336 = tpu.vector_load %arg11[%parallel_loop3A_333, %parallel_loop3A_334, %parallel_loop3A_335] {strides = array<i32>} : memref<5x128x64xf32, #tpu.memory_space<vmem>>, vector<1x1x16xf32>,
      %parallel_loop3A_337 = vector.shape_cast %parallel_loop3A_336 : vector<1x1x16xf32> to vector<16xf32>
      %parallel_loop3A_338 = arith.mulf %parallel_loop3A_331, %parallel_loop3A_337 : vector<16xf32>
      %parallel_loop3A_339 = arith.addf %parallel_loop3A_327, %parallel_loop3A_338 : vector<16xf32>
      %parallel_loop3A_340 = arith.index_cast %parallel_loop3A_304 : i32 to index
      %parallel_loop3A_341 = arith.constant 48 : index
      %parallel_loop3A_342 = tpu.vector_load %arg9[%parallel_loop3A_340, %parallel_loop3A_341] {strides = array<i32>} : memref<128x64xf32, #tpu.memory_space<vmem>>, vector<1x16xf32>,
      %parallel_loop3A_343 = vector.shape_cast %parallel_loop3A_342 : vector<1x16xf32> to vector<16xf32>
      %parallel_loop3A_344 = arith.constant 3 : i32
      %parallel_loop3A_345 = arith.index_cast %parallel_loop3A_344 : i32 to index
      %parallel_loop3A_346 = arith.index_cast %parallel_loop3A_304 : i32 to index
      %parallel_loop3A_347 = arith.constant 48 : index
      %parallel_loop3A_348 = tpu.vector_load %arg11[%parallel_loop3A_345, %parallel_loop3A_346, %parallel_loop3A_347] {strides = array<i32>} : memref<5x128x64xf32, #tpu.memory_space<vmem>>, vector<1x1x16xf32>,
      %parallel_loop3A_349 = vector.shape_cast %parallel_loop3A_348 : vector<1x1x16xf32> to vector<16xf32>
      %parallel_loop3A_350 = arith.mulf %parallel_loop3A_343, %parallel_loop3A_349 : vector<16xf32>
      %parallel_loop3A_351 = arith.addf %parallel_loop3A_339, %parallel_loop3A_350 : vector<16xf32>
      %parallel_loop3A_352 = arith.constant 4 : i32
      %parallel_loop3A_353 = arith.index_cast %parallel_loop3A_352 : i32 to index
      %parallel_loop3A_354 = arith.index_cast %parallel_loop3A_304 : i32 to index
      %parallel_loop3A_355 = arith.constant 0 : index
      %parallel_loop3A_356 = tpu.vector_load %arg12[%parallel_loop3A_353, %parallel_loop3A_354, %parallel_loop3A_355] {strides = array<i32>} : memref<6x128x16xf32, #tpu.memory_space<vmem>>, vector<1x1x16xf32>,
      %parallel_loop3A_357 = vector.shape_cast %parallel_loop3A_356 : vector<1x1x16xf32> to vector<16xf32>
      %parallel_loop3A_358 = vector.shape_cast %parallel_loop3A_351 : vector<16xf32> to vector<1x1x16xf32>
      tpu.vector_store %arg12[%parallel_loop3A_353, %parallel_loop3A_354, %parallel_loop3A_355], %parallel_loop3A_358 {strides = array<i32>} : memref<6x128x16xf32, #tpu.memory_space<vmem>>, vector<1x1x16xf32>,
    } {sc.loop_unroll_factor = 4 : i64, sc.parallel_access}
    %dma_wait3A_287 = arith.constant 6 : i32
    %dma_wait3A_288 = arith.constant 4 : i32
    %dma_wait3A_289 = arith.constant 0 : i32
    %dma_wait3A_290 = arith.constant 0 : i32
    %dma_wait3A_291 = tpu.memref_slice %arg11[%dma_wait3A_288, %dma_wait3A_289, %dma_wait3A_290] : memref<5x128x64xf32, #tpu.memory_space<vmem>> -> memref<1x128x64xf32, #tpu.memory_space<vmem>>
    %dma_wait3A_292 = tpu.memref_squeeze %dma_wait3A_291 : memref<1x128x64xf32, #tpu.memory_space<vmem>> -> memref<128x64xf32, #tpu.memory_space<vmem>>
    %dma_wait3A_293 = arith.constant 0 : i32
    %dma_wait3A_294 = tpu.memref_slice %arg8[%dma_wait3A_287, %dma_wait3A_293] : memref<7x128xi32, #tpu.memory_space<vmem>> -> memref<1x128xi32, #tpu.memory_space<vmem>>
    %dma_wait3A_295 = tpu.memref_squeeze %dma_wait3A_294 : memref<1x128xi32, #tpu.memory_space<vmem>> -> memref<128xi32, #tpu.memory_space<vmem>>
    %dma_wait3A_296 = arith.constant 0 : i32
    %dma_wait3A_297 = arith.constant 0 : i32
    %dma_wait3A_298 = tpu.memref_slice %arg6[%dma_wait3A_296, %dma_wait3A_297] : memref<1000x64xf32, #tpu.memory_space<hbm>> -> memref<1000x64xf32, #tpu.memory_space<hbm>>
    tpu.wait_indirect_dma semaphore(%arg14 : memref<!tpu.dma_semaphore, #tpu.memory_space<semaphore_mem>>) src(%dma_wait3A_298 : memref<1000x64xf32, #tpu.memory_space<hbm>>) dst(%dma_wait3A_292 : memref<128x64xf32, #tpu.memory_space<vmem>>)
    %parallel_loop3A_299 = arith.constant 0 : i32
    %parallel_loop3A_300 = arith.constant 128 : i32
    %parallel_loop3A_301 = arith.constant 1 : i32
    scf.for %parallel_loop3A_304 = %parallel_loop3A_299 to %parallel_loop3A_300 step %parallel_loop3A_301  : i32 {
      %parallel_loop3A_305 = arith.index_cast %parallel_loop3A_304 : i32 to index
      %parallel_loop3A_306 = arith.constant 0 : index
      %parallel_loop3A_307 = tpu.vector_load %arg9[%parallel_loop3A_305, %parallel_loop3A_306] {strides = array<i32>} : memref<128x64xf32, #tpu.memory_space<vmem>>, vector<1x16xf32>,
      %parallel_loop3A_308 = vector.shape_cast %parallel_loop3A_307 : vector<1x16xf32> to vector<16xf32>
      %parallel_loop3A_309 = arith.constant 4 : i32
      %parallel_loop3A_310 = arith.index_cast %parallel_loop3A_309 : i32 to index
      %parallel_loop3A_311 = arith.index_cast %parallel_loop3A_304 : i32 to index
      %parallel_loop3A_312 = arith.constant 0 : index
      %parallel_loop3A_313 = tpu.vector_load %arg11[%parallel_loop3A_310, %parallel_loop3A_311, %parallel_loop3A_312] {strides = array<i32>} : memref<5x128x64xf32, #tpu.memory_space<vmem>>, vector<1x1x16xf32>,
      %parallel_loop3A_314 = vector.shape_cast %parallel_loop3A_313 : vector<1x1x16xf32> to vector<16xf32>
      %parallel_loop3A_315 = arith.mulf %parallel_loop3A_308, %parallel_loop3A_314 : vector<16xf32>
      %parallel_loop3A_316 = arith.index_cast %parallel_loop3A_304 : i32 to index
      %parallel_loop3A_317 = arith.constant 16 : index
      %parallel_loop3A_318 = tpu.vector_load %arg9[%parallel_loop3A_316, %parallel_loop3A_317] {strides = array<i32>} : memref<128x64xf32, #tpu.memory_space<vmem>>, vector<1x16xf32>,
      %parallel_loop3A_319 = vector.shape_cast %parallel_loop3A_318 : vector<1x16xf32> to vector<16xf32>
      %parallel_loop3A_320 = arith.constant 4 : i32
      %parallel_loop3A_321 = arith.index_cast %parallel_loop3A_320 : i32 to index
      %parallel_loop3A_322 = arith.index_cast %parallel_loop3A_304 : i32 to index
      %parallel_loop3A_323 = arith.constant 16 : index
      %parallel_loop3A_324 = tpu.vector_load %arg11[%parallel_loop3A_321, %parallel_loop3A_322, %parallel_loop3A_323] {strides = array<i32>} : memref<5x128x64xf32, #tpu.memory_space<vmem>>, vector<1x1x16xf32>,
      %parallel_loop3A_325 = vector.shape_cast %parallel_loop3A_324 : vector<1x1x16xf32> to vector<16xf32>
      %parallel_loop3A_326 = arith.mulf %parallel_loop3A_319, %parallel_loop3A_325 : vector<16xf32>
      %parallel_loop3A_327 = arith.addf %parallel_loop3A_315, %parallel_loop3A_326 : vector<16xf32>
      %parallel_loop3A_328 = arith.index_cast %parallel_loop3A_304 : i32 to index
      %parallel_loop3A_329 = arith.constant 32 : index
      %parallel_loop3A_330 = tpu.vector_load %arg9[%parallel_loop3A_328, %parallel_loop3A_329] {strides = array<i32>} : memref<128x64xf32, #tpu.memory_space<vmem>>, vector<1x16xf32>,
      %parallel_loop3A_331 = vector.shape_cast %parallel_loop3A_330 : vector<1x16xf32> to vector<16xf32>
      %parallel_loop3A_332 = arith.constant 4 : i32
      %parallel_loop3A_333 = arith.index_cast %parallel_loop3A_332 : i32 to index
      %parallel_loop3A_334 = arith.index_cast %parallel_loop3A_304 : i32 to index
      %parallel_loop3A_335 = arith.constant 32 : index
      %parallel_loop3A_336 = tpu.vector_load %arg11[%parallel_loop3A_333, %parallel_loop3A_334, %parallel_loop3A_335] {strides = array<i32>} : memref<5x128x64xf32, #tpu.memory_space<vmem>>, vector<1x1x16xf32>,
      %parallel_loop3A_337 = vector.shape_cast %parallel_loop3A_336 : vector<1x1x16xf32> to vector<16xf32>
      %parallel_loop3A_338 = arith.mulf %parallel_loop3A_331, %parallel_loop3A_337 : vector<16xf32>
      %parallel_loop3A_339 = arith.addf %parallel_loop3A_327, %parallel_loop3A_338 : vector<16xf32>
      %parallel_loop3A_340 = arith.index_cast %parallel_loop3A_304 : i32 to index
      %parallel_loop3A_341 = arith.constant 48 : index
      %parallel_loop3A_342 = tpu.vector_load %arg9[%parallel_loop3A_340, %parallel_loop3A_341] {strides = array<i32>} : memref<128x64xf32, #tpu.memory_space<vmem>>, vector<1x16xf32>,
      %parallel_loop3A_343 = vector.shape_cast %parallel_loop3A_342 : vector<1x16xf32> to vector<16xf32>
      %parallel_loop3A_344 = arith.constant 4 : i32
      %parallel_loop3A_345 = arith.index_cast %parallel_loop3A_344 : i32 to index
      %parallel_loop3A_346 = arith.index_cast %parallel_loop3A_304 : i32 to index
      %parallel_loop3A_347 = arith.constant 48 : index
      %parallel_loop3A_348 = tpu.vector_load %arg11[%parallel_loop3A_345, %parallel_loop3A_346, %parallel_loop3A_347] {strides = array<i32>} : memref<5x128x64xf32, #tpu.memory_space<vmem>>, vector<1x1x16xf32>,
      %parallel_loop3A_349 = vector.shape_cast %parallel_loop3A_348 : vector<1x1x16xf32> to vector<16xf32>
      %parallel_loop3A_350 = arith.mulf %parallel_loop3A_343, %parallel_loop3A_349 : vector<16xf32>
      %parallel_loop3A_351 = arith.addf %parallel_loop3A_339, %parallel_loop3A_350 : vector<16xf32>
      %parallel_loop3A_352 = arith.constant 5 : i32
      %parallel_loop3A_353 = arith.index_cast %parallel_loop3A_352 : i32 to index
      %parallel_loop3A_354 = arith.index_cast %parallel_loop3A_304 : i32 to index
      %parallel_loop3A_355 = arith.constant 0 : index
      %parallel_loop3A_356 = tpu.vector_load %arg12[%parallel_loop3A_353, %parallel_loop3A_354, %parallel_loop3A_355] {strides = array<i32>} : memref<6x128x16xf32, #tpu.memory_space<vmem>>, vector<1x1x16xf32>,
      %parallel_loop3A_357 = vector.shape_cast %parallel_loop3A_356 : vector<1x1x16xf32> to vector<16xf32>
      %parallel_loop3A_358 = vector.shape_cast %parallel_loop3A_351 : vector<16xf32> to vector<1x1x16xf32>
      tpu.vector_store %arg12[%parallel_loop3A_353, %parallel_loop3A_354, %parallel_loop3A_355], %parallel_loop3A_358 {strides = array<i32>} : memref<6x128x16xf32, #tpu.memory_space<vmem>>, vector<1x1x16xf32>,
    } {sc.loop_unroll_factor = 4 : i64, sc.parallel_access}
    %mul3A_302 = arith.constant 6 : i32
    %mul3A_303 = arith.muli %add3A, %mul3A_302 : i32
    "tpu.region"() ({
      %run_scoped3A = tpu.sem_alloc : memref<!tpu.dma_semaphore, #tpu.memory_space<semaphore_mem>>
      %dma_start3A_304 = arith.constant 0 : i32
      %dma_start3A_305 = arith.constant 0 : i32
      %dma_start3A_306 = tpu.memref_slice %arg7[%mul3A_303, %dma_start3A_304, %dma_start3A_305] : memref<192x128x16xf32, #tpu.memory_space<hbm>> -> memref<6x128x16xf32, #tpu.memory_space<hbm>>
      %dma_start3A_307 = arith.constant 0 : i32
      %dma_start3A_308 = arith.constant 0 : i32
      %dma_start3A_309 = tpu.memref_slice %arg7[%mul3A_303, %dma_start3A_307, %dma_start3A_308] : memref<192x128x16xf32, #tpu.memory_space<hbm>> -> memref<6x128x16xf32, #tpu.memory_space<hbm>>
      tpu.enqueue_dma source(%arg12 : memref<6x128x16xf32, #tpu.memory_space<vmem>>) target(%dma_start3A_309 : memref<6x128x16xf32, #tpu.memory_space<hbm>>) target_semaphore(%run_scoped3A : memref<!tpu.dma_semaphore, #tpu.memory_space<semaphore_mem>>)
      %dma_wait3A_310 = arith.constant 0 : i32
      %dma_wait3A_311 = arith.constant 0 : i32
      %dma_wait3A_312 = tpu.memref_slice %arg7[%mul3A_303, %dma_wait3A_310, %dma_wait3A_311] : memref<192x128x16xf32, #tpu.memory_space<hbm>> -> memref<6x128x16xf32, #tpu.memory_space<hbm>>
      %dma_wait3A_313 = arith.constant 0 : i32
      %dma_wait3A_314 = arith.constant 0 : i32
      %dma_wait3A_315 = tpu.memref_slice %arg7[%mul3A_303, %dma_wait3A_313, %dma_wait3A_314] : memref<192x128x16xf32, #tpu.memory_space<hbm>> -> memref<6x128x16xf32, #tpu.memory_space<hbm>>
      tpu.wait_dma2 semaphore(%run_scoped3A : memref<!tpu.dma_semaphore, #tpu.memory_space<semaphore_mem>>) src(%arg12 : memref<6x128x16xf32, #tpu.memory_space<vmem>>) dst(%dma_wait3A_315 : memref<6x128x16xf32, #tpu.memory_space<hbm>>)
      tpu.yield
    }) : () -> ()
    return
  }
}

module attributes {stable_mosaic.version = 14 : i64} {
  func.func @body(%arg0: memref<3072x128xf32, #tpu.memory_space<vmem>>, %arg1: memref<1x1xf32, #tpu.memory_space<vmem>>) attributes {dimension_semantics = [], scalar_prefetch = 0 : i64, scratch_operands = 0 : i64, tpu.core_type = #tpu.core_type<tc>} {
    %get3A = arith.constant 0 : index
    %get3A_0 = arith.constant 0 : index
    %get3A_1 = vector.load %arg0[%get3A, %get3A_0] : memref<3072x128xf32, #tpu.memory_space<vmem>>, vector<3072x128xf32>
    %iota3A = tpu.iota {dimensions = array<i32: 0>} : vector<128x8xi32>
    %iota3A_2 = tpu.iota {dimensions = array<i32: 1>} : vector<128x8xi32>
    %jit3A = arith.constant 16 : i32
    %div3A = vector.broadcast %jit3A : i32 to vector<128x8xi32>
    %div3A_3 = arith.divsi %iota3A, %div3A : vector<128x8xi32>
    %sign3A = arith.constant 0 : i32
    %sign3A_4 = vector.broadcast %sign3A : i32 to vector<128x8xi32>
    %sign3A_5 = arith.cmpi sgt, %iota3A, %sign3A_4 : vector<128x8xi32>
    %sign3A_6 = arith.extui %sign3A_5 : vector<128x8xi1> to vector<128x8xi32>
    %sign3A_7 = arith.constant 0 : i32
    %sign3A_8 = vector.broadcast %sign3A_7 : i32 to vector<128x8xi32>
    %sign3A_9 = arith.cmpi slt, %iota3A, %sign3A_8 : vector<128x8xi32>
    %sign3A_10 = arith.extui %sign3A_9 : vector<128x8xi1> to vector<128x8xi32>
    %sign3A_11 = arith.subi %sign3A_6, %sign3A_10 : vector<128x8xi32>
    %sign3A_12 = arith.constant 0 : i32
    %sign3A_13 = arith.cmpi sgt, %jit3A, %sign3A_12 : i32
    %sign3A_14 = arith.extui %sign3A_13 : i1 to i32
    %sign3A_15 = arith.constant 0 : i32
    %sign3A_16 = arith.cmpi slt, %jit3A, %sign3A_15 : i32
    %sign3A_17 = arith.extui %sign3A_16 : i1 to i32
    %sign3A_18 = arith.subi %sign3A_14, %sign3A_17 : i32
    %ne3A = vector.broadcast %sign3A_18 : i32 to vector<128x8xi32>
    %ne3A_19 = arith.cmpi ne, %sign3A_11, %ne3A : vector<128x8xi32>
    %rem3A = vector.broadcast %jit3A : i32 to vector<128x8xi32>
    %rem3A_20 = arith.remsi %iota3A, %rem3A : vector<128x8xi32>
    %ne3A_21 = arith.constant 0 : i32
    %ne3A_22 = vector.broadcast %ne3A_21 : i32 to vector<128x8xi32>
    %ne3A_23 = arith.cmpi ne, %rem3A_20, %ne3A_22 : vector<128x8xi32>
    %and3A = arith.andi %ne3A_19, %ne3A_23 : vector<128x8xi1>
    %sub3A = arith.constant 1 : i32
    %sub3A_24 = vector.broadcast %sub3A : i32 to vector<128x8xi32>
    %sub3A_25 = arith.subi %div3A_3, %sub3A_24 : vector<128x8xi32>
    %select_n3A = arith.select %and3A, %sub3A_25, %div3A_3 : vector<128x8xi1>, vector<128x8xi32>
    %eq3A = arith.cmpi eq, %select_n3A, %iota3A_2 : vector<128x8xi32>
    %convert_element_type3A = arith.extui %eq3A : vector<128x8xi1> to vector<128x8xi32>
    %convert_element_type3A_26 = arith.sitofp %convert_element_type3A : vector<128x8xi32> to vector<128x8xf32>
    %dot_general3A = arith.constant dense<0.000000e+00> : vector<3072x8xf32>
    %dot_general3A_27 = tpu.matmul %get3A_1, %convert_element_type3A_26, %dot_general3A {dimension_numbers = #tpu.dot_dimension_numbers<[1], [0], [0], [1], [0, 0, 1, 1], [], []>, transpose_lhs_hint = false} : vector<3072x128xf32>, vector<128x8xf32>, vector<3072x8xf32> -> vector<3072x8xf32>
    %iota3A_28 = tpu.iota {dimensions = array<i32: 0>} : vector<3072x8xi32>
    %jit3A_29 = arith.constant 16 : i32
    %div3A_30 = vector.broadcast %jit3A_29 : i32 to vector<3072x8xi32>
    %div3A_31 = arith.divsi %iota3A_28, %div3A_30 : vector<3072x8xi32>
    %sign3A_32 = arith.constant 0 : i32
    %sign3A_33 = vector.broadcast %sign3A_32 : i32 to vector<3072x8xi32>
    %sign3A_34 = arith.cmpi sgt, %iota3A_28, %sign3A_33 : vector<3072x8xi32>
    %sign3A_35 = arith.extui %sign3A_34 : vector<3072x8xi1> to vector<3072x8xi32>
    %sign3A_36 = arith.constant 0 : i32
    %sign3A_37 = vector.broadcast %sign3A_36 : i32 to vector<3072x8xi32>
    %sign3A_38 = arith.cmpi slt, %iota3A_28, %sign3A_37 : vector<3072x8xi32>
    %sign3A_39 = arith.extui %sign3A_38 : vector<3072x8xi1> to vector<3072x8xi32>
    %sign3A_40 = arith.subi %sign3A_35, %sign3A_39 : vector<3072x8xi32>
    %sign3A_41 = arith.constant 0 : i32
    %sign3A_42 = arith.cmpi sgt, %jit3A_29, %sign3A_41 : i32
    %sign3A_43 = arith.extui %sign3A_42 : i1 to i32
    %sign3A_44 = arith.constant 0 : i32
    %sign3A_45 = arith.cmpi slt, %jit3A_29, %sign3A_44 : i32
    %sign3A_46 = arith.extui %sign3A_45 : i1 to i32
    %sign3A_47 = arith.subi %sign3A_43, %sign3A_46 : i32
    %ne3A_48 = vector.broadcast %sign3A_47 : i32 to vector<3072x8xi32>
    %ne3A_49 = arith.cmpi ne, %sign3A_40, %ne3A_48 : vector<3072x8xi32>
    %rem3A_50 = vector.broadcast %jit3A_29 : i32 to vector<3072x8xi32>
    %rem3A_51 = arith.remsi %iota3A_28, %rem3A_50 : vector<3072x8xi32>
    %ne3A_52 = arith.constant 0 : i32
    %ne3A_53 = vector.broadcast %ne3A_52 : i32 to vector<3072x8xi32>
    %ne3A_54 = arith.cmpi ne, %rem3A_51, %ne3A_53 : vector<3072x8xi32>
    %and3A_55 = arith.andi %ne3A_49, %ne3A_54 : vector<3072x8xi1>
    %sub3A_56 = arith.constant 1 : i32
    %sub3A_57 = vector.broadcast %sub3A_56 : i32 to vector<3072x8xi32>
    %sub3A_58 = arith.subi %div3A_31, %sub3A_57 : vector<3072x8xi32>
    %select_n3A_59 = arith.select %and3A_55, %sub3A_58, %div3A_31 : vector<3072x8xi1>, vector<3072x8xi32>
    %jit3A_60 = arith.constant 6 : i32
    %eq3A_61 = arith.constant 0 : i32
    %eq3A_62 = arith.cmpi eq, %jit3A_60, %eq3A_61 : i32
    %jit3A_63 = arith.constant 1 : i32
    %select_n3A_64 = arith.select %eq3A_62, %jit3A_63, %jit3A_60 : i32
    %rem3A_65 = vector.broadcast %select_n3A_64 : i32 to vector<3072x8xi32>
    %rem3A_66 = arith.remsi %select_n3A_59, %rem3A_65 : vector<3072x8xi32>
    %ne3A_67 = arith.constant 0 : i32
    %ne3A_68 = vector.broadcast %ne3A_67 : i32 to vector<3072x8xi32>
    %ne3A_69 = arith.cmpi ne, %rem3A_66, %ne3A_68 : vector<3072x8xi32>
    %lt3A = arith.constant 0 : i32
    %lt3A_70 = vector.broadcast %lt3A : i32 to vector<3072x8xi32>
    %lt3A_71 = arith.cmpi slt, %rem3A_66, %lt3A_70 : vector<3072x8xi32>
    %lt3A_72 = arith.constant 0 : i32
    %lt3A_73 = arith.cmpi slt, %select_n3A_64, %lt3A_72 : i32
    %ne3A_74 = vector.broadcast %lt3A_73 : i1 to vector<3072x8xi1>
    %ne3A_75 = vector.broadcast %ne3A_74 : vector<3072x8xi1> to vector<3072x8xi1>
    %ne3A_76 = arith.xori %lt3A_71, %ne3A_75 : vector<3072x8xi1>
    %and3A_77 = arith.andi %ne3A_76, %ne3A_69 : vector<3072x8xi1>
    %add3A = vector.broadcast %select_n3A_64 : i32 to vector<3072x8xi32>
    %add3A_78 = arith.addi %rem3A_66, %add3A : vector<3072x8xi32>
    %select_n3A_79 = arith.select %and3A_77, %add3A_78, %rem3A_66 : vector<3072x8xi1>, vector<3072x8xi32>
    %eq3A_80 = arith.constant 0 : i32
    %eq3A_81 = vector.broadcast %eq3A_80 : i32 to vector<3072x8xi32>
    %eq3A_82 = arith.cmpi eq, %select_n3A_79, %eq3A_81 : vector<3072x8xi32>
    %neg3A = arith.constant 0.000000e+00 : f32
    %neg3A_83 = vector.broadcast %neg3A : f32 to vector<3072x8xf32>
    %neg3A_84 = arith.subf %neg3A_83, %dot_general3A_27 : vector<3072x8xf32>
    %select_n3A_85 = arith.select %eq3A_82, %dot_general3A_27, %neg3A_84 : vector<3072x8xi1>, vector<3072x8xf32>
    %min3A = arith.constant 0.000000e+00 : f32
    %min3A_86 = vector.broadcast %min3A : f32 to vector<3072x8xf32>
    %min3A_87 = arith.minimumf %select_n3A_85, %min3A_86 : vector<3072x8xf32>
    %abs3A = math.absf %select_n3A_85 : vector<3072x8xf32>
    %neg3A_88 = arith.constant 0.000000e+00 : f32
    %neg3A_89 = vector.broadcast %neg3A_88 : f32 to vector<3072x8xf32>
    %neg3A_90 = arith.subf %neg3A_89, %abs3A : vector<3072x8xf32>
    %exp3A = math.exp %neg3A_90 : vector<3072x8xf32>
    %log1p3A = math.log1p %exp3A : vector<3072x8xf32>
    %sub3A_91 = arith.subf %min3A_87, %log1p3A : vector<3072x8xf32>
    %reduce_sum3A = vector.shape_cast %sub3A_91 : vector<3072x8xf32> to vector<1x3072x8xf32>
    %reduce_sum3A_92 = arith.constant dense<0.000000e+00> : vector<1xf32>
    %reduce_sum3A_93 = vector.multi_reduction <add>, %reduce_sum3A, %reduce_sum3A_92 [1, 2] : vector<1x3072x8xf32> to vector<1xf32>
    %reduce_sum3A_94 = vector.shape_cast %reduce_sum3A_93 : vector<1xf32> to vector<1x1x1xf32>
    %reduce_sum3A_95 = vector.extract %reduce_sum3A_94[0, 0, 0] : f32 from vector<1x1x1xf32>
    %div3A_96 = arith.constant 4.096000e+03 : f32
    %div3A_97 = arith.divf %reduce_sum3A_95, %div3A_96 : f32
    %neg3A_98 = arith.constant 0.000000e+00 : f32
    %neg3A_99 = arith.subf %neg3A_98, %div3A_97 : f32
    %broadcast_in_dim3A = vector.broadcast %neg3A_99 : f32 to vector<1x1xf32>
    %swap3A = arith.constant 0 : index
    %swap3A_100 = arith.constant 0 : index
    %swap3A_101 = vector.load %arg1[%swap3A, %swap3A_100] : memref<1x1xf32, #tpu.memory_space<vmem>>, vector<1x1xf32>
    tpu.vector_store %arg1[%swap3A, %swap3A_100], %broadcast_in_dim3A {strides = array<i32>} : memref<1x1xf32, #tpu.memory_space<vmem>>, vector<1x1xf32>,
    return
  }
}

</mosaic_0001>

<sc_bundles>
// kernel: kernel.4.cloned.1.call-start
scs
__scs_entry_jumppad:
0x0: {  	(pc) =	sbr.rel $0x88, $3  }
0x1: {  	(tag) =	ssettag $0x0;
	lr =	simm.s32 $0x1  }
0x2: {  	[smem:$0x3F9C] =	sst lr;
	_ =	strace $0xD0000000  }
0x3: {  	_ = 	snop  }
0x4: {  	_ = 	snop  }
0x5: {  	_ = 	snop  }
0x6: {  	_ = 	snop  }
0x7: {  	_ = 	snop  }
__scs_overlays_trampoline_lowered:
0x8: {  	[smem:$0x3FAB] =	sst s0  }
0x9: {  	[smem:$0x3FAC] =	sst s1  }
0xa: {  	[smem:$0x3FAD] =	sst s2  }
0xb: {  	[smem:$0x3FAE] =	sst s3  }
0xc: {  	[smem:$0x3FAF] =	sst s4  }
0xd: {  	[smem:$0x3FB0] =	sst s5  }
0xe: {  	[smem:$0x3FB1] =	sst s6  }
0xf: {  	[smem:$0x3FB2] =	sst s7  }
0x10: {  	[smem:$0x3FB3] =	sst s8  }
0x11: {  	[smem:$0x3FB4] =	sst s9;
	s0 =	simm.s32 @!p0 $0x0  }
0x12: {  	s1 =	sld [smem:$0x3F9A];
	s0 =	simm.s32 @p0 $0x1  }
0x13: {  	[smem:$0x3FB5] =	sst s0;
	s0 =	simm.s32 @!p1 $0x0  }
0x14: {  	s2 =	sld [smem:$0x3F99];
	s0 =	simm.s32 @p1 $0x1  }
0x15: {  	[smem:$0x3FB6] =	sst s0;
	s0 =	simm.s32 @!p2 $0x0  }
0x16: {  	s3 =	sld [smem:$0x3FDB];
	s0 =	simm.s32 @p2 $0x1  }
0x17: {  	s4 =	simm.s32 $0x1BF5;
	[smem:$0x3FB8] =	sst s0  }
0x18: {  	s0 =	sld [smem:$0x3F9B];
	_ =	swait.ge [sflag:s4], $0x0  }
0x19: {  	s7 =	sld [smem:$0x3F9C]  }
0x1a: {  	s8 =	sadd.s32 $0xFFFFE003, lr  }
0x1b: {  	s9 =	sadd.s32 $0xFFFFFEF7, lr;
	s5 =	simm.s32 $0xFFFFFFFF;
	p2 =	slt.u32 s8, $0xFFFFF086  }
0x1c: {  	p1 =	slt.u32 s9, $0xF7A;
	s5 =	simm.s32 @!p2 $0x0  }
0x1d: {  	s5 =	simm.s32 @p1 $0x1;
	p0 =	seq.s32 s7, s2  }
0x1e: {  	s7 =	smul.u32 @!p0 $0xF7A, s2;
	p2 =	seq.s32 @!p0 s5, $0x0  }
0x1f: {  	s9 =	smul.u32 $0xF7A, s1;
	s8 =	simm.s32 @!p0 $0x1BF5;
	p2 =	por !p2, p0  }
0x20: {  	[sflag:s8] =	ssyncset.s32 @!p0 $0xFFFFF086;
	s6 =	sadd.s32 @!p0 s3, s7;
	s7 =	simm.s32 @!p0 $0x108  }
0x21: {  	s3 =	sadd.s32 s3, s9;
	s6 =	sadd.s32 @!p0 $0x88, s6;
	s7 =	simm.s32 @p2 $0x1082  }
0x22: {  	[simem:s7], [sflag:s8] =	dma.local @!p0 [hbm:s6], $0xF7A  }
0x23: {  	s9 =	sor.u32 $0xD0000000, s2;
	s6 =	simm.s32 $0x108;
	_ =	swait.ge @!p0 [sflag:s8], $0x0  }
0x24: {  	s3 =	sadd.s32 $0x88, s3;
	s6 =	simm.s32 @!p1 $0x1082;
	[sflag:s4] =	ssyncset.s32 $0xFFFFF086  }
0x25: {  	[simem:s6], [sflag:s4] =	dma.local [hbm:s3], $0xF7A  }
0x26: {  	[smem:$0x3F9C] =	sst s1;
	(tag) =	ssettag s2;
	_ =	strace s9  }
0x27: {  	s1 =	sld [smem:$0x3FAC]  }
0x28: {  	s2 =	sld [smem:$0x3FAD]  }
0x29: {  	s4 =	sld [smem:$0x3FAF]  }
0x2a: {  	p0 =	seq.s32 s5, $0x0;
	s5 =	sld [smem:$0x3FB0]  }
0x2b: {  	s6 =	sld [smem:$0x3FB1]  }
0x2c: {  	s7 =	sld [smem:$0x3FB2]  }
0x2d: {  	s3 =	simm.s32 $0x108;
	s8 =	sld [smem:$0x3FB3]  }
0x2e: {  	s3 =	simm.s32 @!p0 $0x1082;
	s9 =	sld [smem:$0x3FB4]  }
0x2f: {  	lr =	sadd.s32 s0, s3;
	s0 =	sld [smem:$0x3FAB]  }
0x30: {  	s3 =	sld [smem:$0x3FAE]  }
0x31: {  	[smem:$0x3FB7] =	sst s10  }
0x32: {  	s10 =	sld [smem:$0x3FB5];
	_ =	sdelay $0x3  }
0x33: {  	p0 =	seq.s32 s10, $0x1;
	s10 =	sld [smem:$0x3FB7];
	_ =	sdelay $0x3  }
0x34: {  	[smem:$0x3FB7] =	sst s10  }
0x35: {  	s10 =	sld [smem:$0x3FB6];
	_ =	sdelay $0x3  }
0x36: {  	p1 =	seq.s32 s10, $0x1;
	s10 =	sld [smem:$0x3FB7];
	_ =	sdelay $0x3  }
0x37: {  	[smem:$0x3FB7] =	sst s10  }
0x38: {  	s10 =	sld [smem:$0x3FB8]  }
0x39: {  	_ = 	snop;
	(pc) =	sbr.ind lr, $3  }
0x3a: {  	_ = 	snop  }
0x3b: {  	_ = 	snop  }
0x3c: {  	p2 =	seq.s32 s10, $0x1;
	s10 =	sld [smem:$0x3FB7]  }
0x3d: {  	_ =	shalt  }
0x3e: {  	_ =	shalt  }
0x3f: {  	_ =	shalt  }
0x40: {  	_ =	shalt  }
0x41: {  	_ =	shalt  }
0x42: {  	_ =	shalt  }
0x43: {  	_ =	shalt  }
0x44: {  	_ =	shalt  }
0x45: {  	_ =	shalt  }
0x46: {  	_ =	shalt  }
0x47: {  	_ =	shalt  }
0x48: {  	_ =	shalt  }
0x49: {  	_ =	shalt  }
0x4a: {  	_ =	shalt  }
0x4b: {  	_ =	shalt  }
0x4c: {  	_ =	shalt  }
0x4d: {  	_ =	shalt  }
0x4e: {  	_ =	shalt  }
0x4f: {  	_ =	shalt  }
0x50: {  	_ =	shalt  }
0x51: {  	_ =	shalt  }
0x52: {  	_ =	shalt  }
0x53: {  	_ =	shalt  }
0x54: {  	_ =	shalt  }
0x55: {  	_ =	shalt  }
0x56: {  	_ =	shalt  }
0x57: {  	_ =	shalt  }
0x58: {  	_ =	shalt  }
0x59: {  	_ =	shalt  }
0x5a: {  	_ =	shalt  }
0x5b: {  	_ =	shalt  }
0x5c: {  	_ =	shalt  }
0x5d: {  	_ =	shalt  }
0x5e: {  	_ =	shalt  }
0x5f: {  	_ =	shalt  }
0x60: {  	_ =	shalt  }
0x61: {  	_ =	shalt  }
0x62: {  	_ =	shalt  }
0x63: {  	_ =	shalt  }
0x64: {  	_ =	shalt  }
0x65: {  	_ =	shalt  }
0x66: {  	_ =	shalt  }
0x67: {  	_ =	shalt  }
0x68: {  	_ =	shalt  }
0x69: {  	_ =	shalt  }
0x6a: {  	_ =	shalt  }
0x6b: {  	_ =	shalt  }
0x6c: {  	_ =	shalt  }
0x6d: {  	_ =	shalt  }
0x6e: {  	_ =	shalt  }
0x6f: {  	_ =	shalt  }
0x70: {  	_ =	shalt  }
0x71: {  	_ =	shalt  }
0x72: {  	_ =	shalt  }
0x73: {  	_ =	shalt  }
0x74: {  	_ =	shalt  }
0x75: {  	_ =	shalt  }
0x76: {  	_ =	shalt  }
0x77: {  	_ =	shalt  }
0x78: {  	_ =	shalt  }
0x79: {  	_ =	shalt  }
0x7a: {  	_ =	shalt  }
0x7b: {  	_ =	shalt  }
0x7c: {  	_ =	shalt  }
0x7d: {  	_ =	shalt  }
0x7e: {  	_ =	shalt  }
0x7f: {  	_ =	shalt  }
0x80: {  	_ =	shalt  }
0x81: {  	_ =	shalt  }
0x82: {  	_ =	shalt  }
0x83: {  	_ =	shalt  }
0x84: {  	_ =	shalt  }
0x85: {  	_ =	shalt  }
0x86: {  	_ =	shalt  }
0x87: {  	_ =	shalt  }
.Lfunc_end0:
.L_simem_size_0:
called_computation_lowered:
.L_overlay_start_0:
0x88: {  	s2 =	sld [smem:$0x3FD9]  }
0x89: {  	s3 =	sld [smem:$0x3FFE];
	_ =	sdelay $0x1  }
0x8a: {  	s1 =	srdreg.scid  }
0x8b: {  	s0 =	sand.u32 $0x1, s1  }
0x8c: {  	s17 =	sshll.u32 s0, $0xA;
	s2 =	sadd.s32 s3, s2  }
0x8d: {  	s2 =	sadd.s32 s2, s17  }
0x8e: {  	[smem:$0x3FC3] =	sst s2  }
0x8f: {  	_ = 	snop  }
0x90: {  	s2 =	sld [smem:$0x3FC9]  }
0x91: {  	s18 =	sld [smem:$0x3FC8];
	(tm) =	ssettm $0x1  }
0x92: {  	s4 =	sld [smem:$0x3FFB];
	_ =	sdelay $0x3  }
0x93: {  	_ =	strace s4  }
0x94: {  	s4 =	sld [smem:$0x3FFC];
	_ =	sdelay $0x3  }
0x95: {  	_ =	strace s4  }
0x96: {  	s4 =	sld [smem:$0x3FFD];
	_ =	sdelay $0x3  }
0x97: {  	_ =	strace s4  }
0x98: {  	_ =	strace $0x8FFFFFFF  }
0x99: {  	s19 =	sld [smem:$0x3FDB];
	_ =	sdelay $0x1  }
0x9a: {  	s5 =	simm.s32 $_scs_section_size  }
0x9b: {  	s6 =	simm.s32 $_size__tile_overlayer_lowered;
	s7 =	simm.s32 $_tile_overlayer_lowered  }
0x9c: {  	s22 =	simm.s32 $0x1BFF;
	s21 =	sshll.u32 s7, $0x1;
	s4 =	sadd.s32 s5, s19  }
0x9d: {  	s8 =	simm.s32 $0x0;
	s20 =	sshll.u32 s6, $0x1;
	s6 =	sadd.s32 s21, s4  }
0x9e: {  	[timem:s8], [sflag:s22] =	dma.local [hbm:s6], s20  }
0x9f: {  	_ =	swait.ge [sflag:s22], s20  }
0xa0: {  	s5 =	ssub.s32 $0x0, s20;
	[sflag:s22] =	ssyncset.done $0x0  }
0xa1: {  	[sflag:s22] =	ssyncadd.s32 s5;
	_ =	sdelay $0x1  }
0xa2: {  	s23 =	simm.s32 $0x1B8B  }
0xa3: {  	_ =	swait.ge [sflag:s23], $0x1  }
0xa4: {  	[sflag:s23] =	ssyncset.done $0x0  }
0xa5: {  	s25 =	simm.s32 $0x1B8E;
	s24 =	sld [smem:$0x3FFE];
	[sflag:s23] =	ssyncadd.s32 $0xFFFFFFFF  }
0xa6: {  	s26 =	simm.s32 $execute0_lowered;
	[smem:$0x3FD2] =	sst s25  }
0xa7: {  	s6 =	sshll.u32 s26, $0x1;
	_ =	strace $0x80000046;
	[dreg:$0x1] =	wrdreg $0xFFFFFFFF  }
0xa8: {  	s28 =	simm.s32 $_size_execute0_lowered;
	s4 =	sadd.s32 s4, s6;
	[dreg:$0x0] =	wrdreg $0x0  }
0xa9: {  	s6 =	sshll.u32 s28, $0x1;
	[dreg:$0x2] =	wrdreg s4  }
0xaa: {  	[dreg:$0x3] =	wrdreg s6  }
0xab: {  	[dreg:$0x4] =	wrdreg $0xC0  }
0xac: {  	_ =	task [dreg:s8], $0x5FFFF  }
0xad: {  	[dreg:$0x1] =	wrdreg $0xFFFFFFFF  }
0xae: {  	[dreg:$0x0] =	wrdreg $0x60  }
0xaf: {  	[dreg:$0x2] =	wrdreg s2  }
0xb0: {  	[dreg:$0x3] =	wrdreg s18  }
0xb1: {  	[dreg:$0x4] =	wrdreg s24  }
0xb2: {  	[dreg:$0x5] =	wrdreg $0x9  }
0xb3: {  	_ =	task.clear_ibuf [dreg:s8], $0x6FFFF;
	_ =	strace $0x90000046  }
0xb4: {  	s29 =	simm.s32 $0x9;
	_ =	strace $0x80000048  }
0xb5: {  	_ =	swait.ge [sflag:s29], $0x1  }
0xb6: {  	[sflag:s29] =	ssyncadd.s32 $0xFFFFFFFF  }
0xb7: {  	_ =	strace $0x90000048  }
0xb8: {  	_ =	sfence  }
0xb9: {  	s30 =	sld [smem:$0x0];
	_ =	sdelay $0x2  }
0xba: {  	s31 =	sshll.u32 s1, $0xD;
	s1 =	sshrl.u32 s1, $0x2  }
0xbb: {  	s3 =	sand.u32 $0x4000, s31;
	s1 =	sadd.s32 s1, s30  }
0xbc: {  	s0 =	sor.u32 s3, s0;
	s1 =	sshll.u32 s1, $0x11  }
0xbd: {  	s0 =	sor.u32 s1, s0  }
0xbe: {  	s0 =	sadd.s32 $0x8F2B, s0  }
0xbf: {  	[sflag:s0] =	ssyncadd.remote.s32 $0x1  }
0xc0: {  	_ =	sfence.sel $0xFFFF  }
0xc1: {  	[dreg:$0x0] =	wrdreg $0xFFFFFFFF;
	(pc) =	sbr.abs _section_cstart, $3  }
0xc2: {  	[dreg:$0x1] =	wrdreg $0xFFFFFFFF  }
0xc3: {  	_ =	task.clear_ibuf [dreg:s8], $0x2FFFF;
	_ =	strace $0x9FFFFFFF  }
0xc4: {  	(tm) =	ssettm $0x7FFFFFFF  }
0xc5: {  	_ =	shalt  }
tec
execute0_lowered:
.L_overlay_start_1:
0x0: {  	(tag) =	ssettag $0x1  }
0x1: {  	s0 =	rddreg [dreg:$0x0]  }
0x2: {  	s1 =	rddreg [dreg:$0x1]  }
0x3: {  	s5 =	rddreg [dreg:$0x2];
	s2 =	simm.s32 $0x0;
	s3 =	srdreg.scid  }
0x4: {  	s4 =	stileid.u32;
	s14 =	simm.s32 $0x80;
	s15 =	simm.s32 $0x100  }
0x5: {  	s16 =	simm.s32 $0x180;
	s17 =	simm.s32 $0x200;
	s18 =	simm.s32 $0x280  }
0x6: {  	s19 =	simm.s32 $0x300;
	s20 =	simm.s32 $0x1;
	s24 =	simm.s32 $0x6380  }
0x7: {  	s25 =	simm.s32 $0x8380;
	s26 =	simm.s32 $0xA380;
	s28 =	simm.s32 $0xC380  }
0x8: {  	s29 =	simm.s32 $0x2;
	s30 =	simm.s32 $0xE380;
	s31 =	simm.s32 $0x3  }
0x9: {  	[smem:$0x7FF] =	sst s2;
	s3 =	sand.u32 $0x1, s3;
	s4 =	sshll.u32 s4, $0x1  }
0xa: {  	_ =	strace $0x80000047;
	s4 =	sor.u32 s3, s4;
	s8 =	ssub.s32 $0x2, s3  }
0xb: {  	s3 =	sadd.s32 $0x1200, s5;
	s6 =	sshll.u32 s4, $0x4;
	s7 =	smul.u32 $0x600, s4  }
0xc: {  	s9 =	sshrl.u32 s8, $0x1;
	s4 =	sadd.s32 $0x3200, s5;
	s11 =	sadd.s32 s6, s5  }
0xd: {  	s13 =	ssub.s32 s8, s9;
	s12 =	sadd.s32 s7, s5;
	s5 =	sadd.s32 s0, s6  }
0xe: {  	s6 =	sadd.s32 s1, s6;
	s7 =	sadd.s32 $0x800, s11;
	s8 =	sadd.s32 $0xA00, s11  }
0xf: {  	s9 =	sadd.s32 $0xC00, s11;
	s10 =	sadd.s32 $0xE00, s11;
	s11 =	sadd.s32 $0x1000, s11  }
0x10: {  	s13 =	smax.u32 s13, $0x1;
	s0 =	simm.s32 $0x0;
	s12 =	sadd.s32 $0x5200, s12  }
.LBB2_1:
0x11: {  	[tilespmem:s2], [sflag:$0x1] =	stream.linear.gather [hbm4b:s5+s2], $0x80, $0x38;
	[tilespmem:$0x11380] =	vst v63  }
0x12: {  	_ = 	snop  }
0x13: {  	[tilespmem:s14], [sflag:$0x1] =	stream.linear.gather [hbm4b:s6+s2], $0x80, $0x38;
	[tilespmem:$0x11380] =	vst v63  }
0x14: {  	_ = 	snop  }
0x15: {  	[tilespmem:s15], [sflag:$0x1] =	stream.linear.gather [hbm4b:s7+s2], $0x80, $0x38;
	[tilespmem:$0x11380] =	vst v63  }
0x16: {  	_ = 	snop  }
0x17: {  	[tilespmem:s16], [sflag:$0x1] =	stream.linear.gather [hbm4b:s8+s2], $0x80, $0x38;
	[tilespmem:$0x11380] =	vst v63  }
0x18: {  	_ = 	snop  }
0x19: {  	[tilespmem:s17], [sflag:$0x1] =	stream.linear.gather [hbm4b:s9+s2], $0x80, $0x38;
	[tilespmem:$0x11380] =	vst v63  }
0x1a: {  	_ = 	snop  }
0x1b: {  	[tilespmem:s18], [sflag:$0x1] =	stream.linear.gather [hbm4b:s10+s2], $0x80, $0x38;
	[tilespmem:$0x11380] =	vst v63  }
0x1c: {  	_ = 	snop  }
0x1d: {  	[tilespmem:s19], [sflag:$0x1] =	stream.linear.gather [hbm4b:s11+s2], $0x80, $0x38;
	[tilespmem:$0x11380] =	vst v63  }
0x1e: {  	_ =	swait.ge [sflag:s20], $0x80  }
0x1f: {  	[sflag:s20] =	ssyncset.done $0x0  }
0x20: {  	[sflag:s20] =	ssyncadd.s32 $0xFFFFFF80  }
0x21: {  	_ =	swait.ge [sflag:s20], $0x80  }
0x22: {  	[sflag:s20] =	ssyncset.done $0x0  }
0x23: {  	s1 =	simm.s32 $0x380;
	[sflag:s20] =	ssyncadd.s32 $0xFFFFFF80  }
0x24: {  	[tilespmem:s1], [sflag:$0x2] =	stream.indirect.gather [hbm4b:s3+s14], $0x40, s2, s14, $0xb8;
	[tilespmem:$0x11380] =	vst v63  }
0x25: {  	s22 =	simm.s32 $0x2380  }
0x26: {  	[tilespmem:s22], [sflag:$0x2] =	stream.indirect.gather [hbm4b:s4+s14], $0x40, s14, s14, $0xb8;
	[tilespmem:$0x11380] =	vst v63  }
0x27: {  	_ =	swait.ge [sflag:s20], $0x80  }
0x28: {  	[sflag:s20] =	ssyncset.done $0x0  }
0x29: {  	s23 =	simm.s32 $0x4380;
	[sflag:s20] =	ssyncadd.s32 $0xFFFFFF80  }
0x2a: {  	[tilespmem:s23], [sflag:$0x2] =	stream.indirect.gather [hbm4b:s4+s14], $0x40, s15, s14, $0xb8;
	[tilespmem:$0x11380] =	vst v63  }
0x2b: {  	_ =	swait.ge [sflag:s20], $0x80  }
0x2c: {  	[sflag:s20] =	ssyncset.done $0x0  }
0x2d: {  	[sflag:s20] =	ssyncadd.s32 $0xFFFFFF80  }
0x2e: {  	[tilespmem:s24], [sflag:$0x2] =	stream.indirect.gather [hbm4b:s4+s14], $0x40, s16, s14, $0xb8;
	[tilespmem:$0x11380] =	vst v63  }
0x2f: {  	_ =	swait.ge [sflag:s20], $0x80  }
0x30: {  	[sflag:s20] =	ssyncset.done $0x0  }
0x31: {  	[sflag:s20] =	ssyncadd.s32 $0xFFFFFF80  }
0x32: {  	[tilespmem:s25], [sflag:$0x2] =	stream.indirect.gather [hbm4b:s4+s14], $0x40, s17, s14, $0xb8;
	[tilespmem:$0x11380] =	vst v63  }
0x33: {  	_ =	swait.ge [sflag:s20], $0x80  }
0x34: {  	[sflag:s20] =	ssyncset.done $0x0  }
0x35: {  	[sflag:s20] =	ssyncadd.s32 $0xFFFFFF80  }
0x36: {  	[tilespmem:s26], [sflag:$0x2] =	stream.indirect.gather [hbm4b:s4+s14], $0x40, s18, s14, $0xb8;
	[tilespmem:$0x11380] =	vst v63  }
0x37: {  	_ =	swait.ge [sflag:s20], $0x80  }
0x38: {  	[sflag:s20] =	ssyncset.done $0x0  }
0x39: {  	[sflag:s20] =	ssyncadd.s32 $0xFFFFFF80  }
0x3a: {  	[tilespmem:s28], [sflag:$0x2] =	stream.indirect.gather [hbm4b:s4+s14], $0x40, s19, s14, $0xb8;
	[tilespmem:$0x11380] =	vst v63  }
0x3b: {  	_ =	swait.ge [sflag:s29], $0x2000  }
0x3c: {  	[sflag:s29] =	ssyncset.done $0x0  }
0x3d: {  	[sflag:s29] =	ssyncadd.s32 $0xFFFFE000  }
0x3e: {  	_ =	swait.ge [sflag:s29], $0x2000  }
0x3f: {  	[sflag:s29] =	ssyncset.done $0x0  }
0x40: {  	s22 =	simm.s32 $0x400;
	[sflag:s29] =	ssyncadd.s32 $0xFFFFE000  }
0x41: {  	s1 =	simm.s32 $0x2400;
	v0 =	vld [tilespmem:s22+$0x40]  }
0x42: {  	v1 =	vld [tilespmem:s1+$0x40]  }
0x43: {  	v2 =	vld [tilespmem:s22+$0x50]  }
0x44: {  	v3 =	vld [tilespmem:s1+$0x50]  }
0x45: {  	v4 =	vld [tilespmem:s22+$0x60]  }
0x46: {  	v5 =	vld [tilespmem:s1+$0x60]  }
0x47: {  	v6 =	vld [tilespmem:s22+$0x70]  }
0x48: {  	v7 =	vld [tilespmem:s1+$0x70]  }
0x49: {  	v8 =	vld [tilespmem:s1+$0xFFFFFF80]  }
0x4a: {  	v9 =	vld [tilespmem:s22+$0xFFFFFF90]  }
0x4b: {  	v10 =	vld [tilespmem:s1+$0xFFFFFF90]  }
0x4c: {  	v11 =	vld [tilespmem:s22+$0xFFFFFFC0]  }
0x4d: {  	v12 =	vld [tilespmem:s1+$0xFFFFFFC0]  }
0x4e: {  	v13 =	vld [tilespmem:s22+$0xFFFFFFD0]  }
0x4f: {  	v14 =	vld [tilespmem:s1+$0xFFFFFFD0]  }
0x50: {  	v15 =	vld [tilespmem:s22+$0x0]  }
0x51: {  	v16 =	vld [tilespmem:s1+$0x0]  }
0x52: {  	v17 =	vld [tilespmem:s22+$0x10]  }
0x53: {  	v18 =	vld [tilespmem:s1+$0x10]  }
0x54: {  	v19 =	vld [tilespmem:s22+$0xFFFFFF80]  }
0x55: {  	v20 =	vld [tilespmem:s22+$0xFFFFFFA0]  }
0x56: {  	v21 =	vld [tilespmem:s22+$0xFFFFFFE0];
	v0 =	vmul.f32 v1, v0;
	v1 =	vmul.f32 v3, v2  }
0x57: {  	v22 =	vld [tilespmem:s22+$0x20]  }
0x58: {  	v3 =	vld [tilespmem:s1+$0xFFFFFFA0];
	v0 =	vadd.f32 v1, v0;
	v1 =	vmul.f32 v5, v4  }
0x59: {  	v2 =	vmul.f32 v7, v6;
	v4 =	vld [tilespmem:s1+$0xFFFFFFE0]  }
0x5a: {  	v23 =	vld [tilespmem:s1+$0x20];
	v6 =	vmul.f32 v14, v13;
	v7 =	vmul.f32 v10, v9;
	v1 =	vadd.f32 v1, v0  }
0x5b: {  	v8 =	vmul.f32 v8, v19;
	v5 =	vmul.f32 v12, v11;
	v0 =	vld [tilespmem:s22+$0xFFFFFFB0]  }
0x5c: {  	v9 =	vmul.f32 v18, v17;
	v11 =	vadd.f32 v2, v1;
	v2 =	vld [tilespmem:s1+$0xFFFFFFB0]  }
0x5d: {  	v8 =	vadd.f32 v7, v8;
	v7 =	vld [tilespmem:s1+$0xFFFFFFF0];
	v5 =	vadd.f32 v6, v5;
	v6 =	vmul.f32 v16, v15  }
0x5e: {  	v10 =	vmul.f32 v3, v20;
	v1 =	vld [tilespmem:s22+$0xFFFFFFF0];
	v63 =	vmul.f32 v4, v21  }
0x5f: {  	s21 =	simm.s32 $0xE3A0;
	v3 =	vadd.f32 v9, v6;
	v9 =	vmul.f32 v23, v22;
	v4 =	vld [tilespmem:s22+$0x30]  }
0x60: {  	s23 =	simm.s32 $0x500;
	v6 =	vadd.f32 v10, v8;
	s22 =	simm.s32 $0x0;
	v8 =	vld [tilespmem:s1+$0x30];
	[tilespmem:s21+$0x10] =	vst v11;
	v5 =	vadd.f32 v63, v5  }
.LBB2_2:
0x61: {  	v10 =	vld [tilespmem:s23+$0x40];
	v0 =	vmul.f32 v2, v0;
	v2 =	vadd.f32 v9, v3;
	s1 =	sadd.s32 $0x100, s1  }
0x62: {  	v3 =	vld [tilespmem:s1+$0x40]  }
0x63: {  	v9 =	vld [tilespmem:s23+$0x50];
	v0 =	vadd.f32 v0, v6;
	v1 =	vmul.f32 v7, v1  }
0x64: {  	s22 =	sadd.s32 $0x4, s22;
	v6 =	vld [tilespmem:s1+$0x50]  }
0x65: {  	p0 =	slt.u32 s22, $0x7C;
	v7 =	vld [tilespmem:s23+$0x60];
	[tilespmem:s21+$0xFFFFFFE0] =	vst v0;
	v0 =	vadd.f32 v1, v5;
	v1 =	vmul.f32 v8, v4  }
0x66: {  	v4 =	vld [tilespmem:s1+$0x60]  }
0x67: {  	v5 =	vld [tilespmem:s23+$0x70];
	[tilespmem:s21+$0xFFFFFFF0] =	vst v0;
	v0 =	vadd.f32 v1, v2  }
0x68: {  	v1 =	vld [tilespmem:s1+$0x70]  }
0x69: {  	v3 =	vmul.f32 v3, v10;
	v2 =	vld [tilespmem:s1+$0xFFFFFF80];
	v6 =	vmul.f32 v6, v9;
	[tilespmem:s21+$0x0] =	vst v0  }
0x6a: {  	v0 =	vld [tilespmem:s23+$0xFFFFFF90]  }
0x6b: {  	v8 =	vld [tilespmem:s1+$0xFFFFFF90];
	v3 =	vadd.f32 v6, v3;
	v4 =	vmul.f32 v4, v7  }
0x6c: {  	v6 =	vld [tilespmem:s23+$0xFFFFFFC0]  }
0x6d: {  	v7 =	vld [tilespmem:s1+$0xFFFFFFC0];
	v3 =	vadd.f32 v4, v3;
	v1 =	vmul.f32 v1, v5  }
0x6e: {  	v4 =	vld [tilespmem:s23+$0xFFFFFFD0]  }
0x6f: {  	v5 =	vld [tilespmem:s1+$0xFFFFFFD0];
	v1 =	vadd.f32 v1, v3  }
0x70: {  	s21 =	sadd.s32 $0x40, s21;
	v0 =	vmul.f32 v8, v0;
	v3 =	vld [tilespmem:s23+$0x0]  }
0x71: {  	v8 =	vld [tilespmem:s1+$0x0];
	[tilespmem:s21+$0x10] =	vst v1  }
0x72: {  	v1 =	vmul.f32 v7, v6;
	v6 =	vld [tilespmem:s23+$0x10]  }
0x73: {  	v7 =	vld [tilespmem:s1+$0x10]  }
0x74: {  	v9 =	vld [tilespmem:s23+$0xFFFFFF80];
	v4 =	vmul.f32 v5, v4  }
0x75: {  	v5 =	vld [tilespmem:s23+$0xFFFFFFA0]  }
0x76: {  	v10 =	vld [tilespmem:s1+$0xFFFFFFA0];
	v4 =	vadd.f32 v4, v1;
	v1 =	vmul.f32 v8, v3  }
0x77: {  	v8 =	vld [tilespmem:s23+$0xFFFFFFE0]  }
0x78: {  	v11 =	vld [tilespmem:s1+$0xFFFFFFE0];
	v3 =	vmul.f32 v7, v6  }
0x79: {  	v2 =	vmul.f32 v2, v9;
	v9 =	vld [tilespmem:s23+$0x20]  }
0x7a: {  	v3 =	vadd.f32 v3, v1;
	v12 =	vld [tilespmem:s1+$0x20]  }
0x7b: {  	v1 =	vadd.f32 v0, v2;
	v5 =	vmul.f32 v10, v5;
	v0 =	vld [tilespmem:s23+$0xFFFFFFB0]  }
.Ltmp0:
0x7c: {  	v2 =	vld [tilespmem:s1+$0xFFFFFFB0];
	(pc) =	sbr.rel @p0 .LBB2_2-.Ltmp0, $4  }
0x7d: {  	v6 =	vadd.f32 v5, v1;
	v5 =	vmul.f32 v11, v8;
	v1 =	vld [tilespmem:s23+$0xFFFFFFF0]  }
0x7e: {  	v7 =	vld [tilespmem:s1+$0xFFFFFFF0]  }
0x7f: {  	v5 =	vadd.f32 v5, v4;
	v9 =	vmul.f32 v12, v9;
	v4 =	vld [tilespmem:s23+$0x30]  }
0x80: {  	s23 =	sadd.s32 $0x100, s23;
	v8 =	vld [tilespmem:s1+$0x30]  }
0x81: {  	_ =	sdelay $0x1  }
0x82: {  	v0 =	vmul.f32 v2, v0  }
0x83: {  	v1 =	vmul.f32 v7, v1  }
0x84: {  	v2 =	vadd.f32 v9, v3;
	v0 =	vadd.f32 v0, v6;
	v3 =	vmul.f32 v8, v4  }
0x85: {  	v1 =	vadd.f32 v1, v5  }
0x86: {  	[tilespmem:s21+$0xFFFFFFE0] =	vst v0;
	v0 =	vadd.f32 v3, v2  }
0x87: {  	[tilespmem:s21+$0xFFFFFFF0] =	vst v1  }
0x88: {  	[tilespmem:s21+$0x0] =	vst v0  }
0x89: {  	_ =	swait.ge [sflag:s29], $0x2000  }
0x8a: {  	[sflag:s29] =	ssyncset.done $0x0  }
0x8b: {  	s22 =	simm.s32 $0x400;
	[sflag:s29] =	ssyncadd.s32 $0xFFFFE000  }
0x8c: {  	s1 =	simm.s32 $0x4400;
	v0 =	vld [tilespmem:s22+$0x40]  }
0x8d: {  	v1 =	vld [tilespmem:s1+$0x40]  }
0x8e: {  	v2 =	vld [tilespmem:s22+$0x50]  }
0x8f: {  	v3 =	vld [tilespmem:s1+$0x50]  }
0x90: {  	v4 =	vld [tilespmem:s22+$0x60]  }
0x91: {  	v5 =	vld [tilespmem:s1+$0x60]  }
0x92: {  	v6 =	vld [tilespmem:s22+$0x70]  }
0x93: {  	v7 =	vld [tilespmem:s1+$0x70]  }
0x94: {  	v8 =	vld [tilespmem:s1+$0xFFFFFF80]  }
0x95: {  	v9 =	vld [tilespmem:s22+$0xFFFFFF90]  }
0x96: {  	v10 =	vld [tilespmem:s1+$0xFFFFFF90]  }
0x97: {  	v11 =	vld [tilespmem:s22+$0xFFFFFFC0]  }
0x98: {  	v12 =	vld [tilespmem:s1+$0xFFFFFFC0]  }
0x99: {  	v13 =	vld [tilespmem:s22+$0xFFFFFFD0]  }
0x9a: {  	v14 =	vld [tilespmem:s1+$0xFFFFFFD0]  }
0x9b: {  	v15 =	vld [tilespmem:s22+$0x0]  }
0x9c: {  	v16 =	vld [tilespmem:s1+$0x0]  }
0x9d: {  	v17 =	vld [tilespmem:s22+$0x10]  }
0x9e: {  	v18 =	vld [tilespmem:s1+$0x10]  }
0x9f: {  	v19 =	vld [tilespmem:s22+$0xFFFFFF80]  }
0xa0: {  	v20 =	vld [tilespmem:s22+$0xFFFFFFA0]  }
0xa1: {  	v21 =	vld [tilespmem:s22+$0xFFFFFFE0];
	v0 =	vmul.f32 v1, v0;
	v1 =	vmul.f32 v3, v2  }
0xa2: {  	v22 =	vld [tilespmem:s22+$0x20]  }
0xa3: {  	v3 =	vld [tilespmem:s1+$0xFFFFFFA0];
	v0 =	vadd.f32 v1, v0;
	v1 =	vmul.f32 v5, v4  }
0xa4: {  	v2 =	vmul.f32 v7, v6;
	v4 =	vld [tilespmem:s1+$0xFFFFFFE0]  }
0xa5: {  	v23 =	vld [tilespmem:s1+$0x20];
	v6 =	vmul.f32 v14, v13;
	v7 =	vmul.f32 v10, v9;
	v1 =	vadd.f32 v1, v0  }
0xa6: {  	v8 =	vmul.f32 v8, v19;
	v5 =	vmul.f32 v12, v11;
	v0 =	vld [tilespmem:s22+$0xFFFFFFB0]  }
0xa7: {  	v9 =	vmul.f32 v18, v17;
	v11 =	vadd.f32 v2, v1;
	v2 =	vld [tilespmem:s1+$0xFFFFFFB0]  }
0xa8: {  	v8 =	vadd.f32 v7, v8;
	v7 =	vld [tilespmem:s1+$0xFFFFFFF0];
	v5 =	vadd.f32 v6, v5;
	v6 =	vmul.f32 v16, v15  }
0xa9: {  	v10 =	vmul.f32 v3, v20;
	v1 =	vld [tilespmem:s22+$0xFFFFFFF0];
	v63 =	vmul.f32 v4, v21  }
0xaa: {  	s21 =	simm.s32 $0xEBB0;
	v3 =	vadd.f32 v9, v6;
	v9 =	vmul.f32 v23, v22;
	v4 =	vld [tilespmem:s22+$0x30]  }
0xab: {  	s23 =	simm.s32 $0x500;
	v6 =	vadd.f32 v10, v8;
	s22 =	simm.s32 $0x0;
	v8 =	vld [tilespmem:s1+$0x30];
	[tilespmem:s21+$0x0] =	vst v11;
	v5 =	vadd.f32 v63, v5  }
.LBB2_4:
0xac: {  	v10 =	vld [tilespmem:s23+$0x40];
	v0 =	vmul.f32 v2, v0;
	v2 =	vadd.f32 v9, v3;
	s1 =	sadd.s32 $0x100, s1  }
0xad: {  	v3 =	vld [tilespmem:s1+$0x40]  }
0xae: {  	v9 =	vld [tilespmem:s23+$0x50];
	v0 =	vadd.f32 v0, v6;
	v1 =	vmul.f32 v7, v1  }
0xaf: {  	s22 =	sadd.s32 $0x4, s22;
	v6 =	vld [tilespmem:s1+$0x50]  }
0xb0: {  	p0 =	slt.u32 s22, $0x7C;
	v7 =	vld [tilespmem:s23+$0x60];
	[tilespmem:s21+$0xFFFFFFD0] =	vst v0;
	v0 =	vadd.f32 v1, v5;
	v1 =	vmul.f32 v8, v4  }
0xb1: {  	v4 =	vld [tilespmem:s1+$0x60]  }
0xb2: {  	v5 =	vld [tilespmem:s23+$0x70];
	[tilespmem:s21+$0xFFFFFFE0] =	vst v0;
	v0 =	vadd.f32 v1, v2  }
0xb3: {  	v1 =	vld [tilespmem:s1+$0x70]  }
0xb4: {  	v3 =	vmul.f32 v3, v10;
	v2 =	vld [tilespmem:s1+$0xFFFFFF80];
	v6 =	vmul.f32 v6, v9;
	[tilespmem:s21+$0xFFFFFFF0] =	vst v0  }
0xb5: {  	v0 =	vld [tilespmem:s23+$0xFFFFFF90]  }
0xb6: {  	v8 =	vld [tilespmem:s1+$0xFFFFFF90];
	v3 =	vadd.f32 v6, v3;
	v4 =	vmul.f32 v4, v7  }
0xb7: {  	v6 =	vld [tilespmem:s23+$0xFFFFFFC0]  }
0xb8: {  	v7 =	vld [tilespmem:s1+$0xFFFFFFC0];
	v3 =	vadd.f32 v4, v3;
	v1 =	vmul.f32 v1, v5  }
0xb9: {  	v4 =	vld [tilespmem:s23+$0xFFFFFFD0]  }
0xba: {  	v5 =	vld [tilespmem:s1+$0xFFFFFFD0];
	v1 =	vadd.f32 v1, v3  }
0xbb: {  	s21 =	sadd.s32 $0x40, s21;
	v0 =	vmul.f32 v8, v0;
	v3 =	vld [tilespmem:s23+$0x0]  }
0xbc: {  	v8 =	vld [tilespmem:s1+$0x0];
	[tilespmem:s21+$0x0] =	vst v1  }
0xbd: {  	v1 =	vmul.f32 v7, v6;
	v6 =	vld [tilespmem:s23+$0x10]  }
0xbe: {  	v7 =	vld [tilespmem:s1+$0x10]  }
0xbf: {  	v9 =	vld [tilespmem:s23+$0xFFFFFF80];
	v4 =	vmul.f32 v5, v4  }
0xc0: {  	v5 =	vld [tilespmem:s23+$0xFFFFFFA0]  }
0xc1: {  	v10 =	vld [tilespmem:s1+$0xFFFFFFA0];
	v4 =	vadd.f32 v4, v1;
	v1 =	vmul.f32 v8, v3  }
0xc2: {  	v8 =	vld [tilespmem:s23+$0xFFFFFFE0]  }
0xc3: {  	v11 =	vld [tilespmem:s1+$0xFFFFFFE0];
	v3 =	vmul.f32 v7, v6  }
0xc4: {  	v2 =	vmul.f32 v2, v9;
	v9 =	vld [tilespmem:s23+$0x20]  }
0xc5: {  	v3 =	vadd.f32 v3, v1;
	v12 =	vld [tilespmem:s1+$0x20]  }
0xc6: {  	v1 =	vadd.f32 v0, v2;
	v5 =	vmul.f32 v10, v5;
	v0 =	vld [tilespmem:s23+$0xFFFFFFB0]  }
.Ltmp1:
0xc7: {  	v2 =	vld [tilespmem:s1+$0xFFFFFFB0];
	(pc) =	sbr.rel @p0 .LBB2_4-.Ltmp1, $4  }
0xc8: {  	v6 =	vadd.f32 v5, v1;
	v5 =	vmul.f32 v11, v8;
	v1 =	vld [tilespmem:s23+$0xFFFFFFF0]  }
0xc9: {  	v7 =	vld [tilespmem:s1+$0xFFFFFFF0]  }
0xca: {  	v5 =	vadd.f32 v5, v4;
	v9 =	vmul.f32 v12, v9;
	v4 =	vld [tilespmem:s23+$0x30]  }
0xcb: {  	s23 =	sadd.s32 $0x100, s23;
	v8 =	vld [tilespmem:s1+$0x30]  }
0xcc: {  	_ =	sdelay $0x1  }
0xcd: {  	v0 =	vmul.f32 v2, v0  }
0xce: {  	v1 =	vmul.f32 v7, v1  }
0xcf: {  	v2 =	vadd.f32 v9, v3;
	v0 =	vadd.f32 v0, v6;
	v3 =	vmul.f32 v8, v4  }
0xd0: {  	v1 =	vadd.f32 v1, v5  }
0xd1: {  	[tilespmem:s21+$0xFFFFFFD0] =	vst v0;
	v0 =	vadd.f32 v3, v2  }
0xd2: {  	[tilespmem:s21+$0xFFFFFFE0] =	vst v1  }
0xd3: {  	[tilespmem:s21+$0xFFFFFFF0] =	vst v0  }
0xd4: {  	_ =	swait.ge [sflag:s29], $0x2000  }
0xd5: {  	[sflag:s29] =	ssyncset.done $0x0  }
0xd6: {  	s22 =	simm.s32 $0x400;
	[sflag:s29] =	ssyncadd.s32 $0xFFFFE000  }
0xd7: {  	s1 =	simm.s32 $0x6470;
	v0 =	vld [tilespmem:s22+$0x40]  }
0xd8: {  	v1 =	vld [tilespmem:s1+$0xFFFFFFD0]  }
0xd9: {  	v2 =	vld [tilespmem:s22+$0x50]  }
0xda: {  	v3 =	vld [tilespmem:s1+$0xFFFFFFE0]  }
0xdb: {  	v4 =	vld [tilespmem:s22+$0x60]  }
0xdc: {  	v5 =	vld [tilespmem:s1+$0xFFFFFFF0]  }
0xdd: {  	v6 =	vld [tilespmem:s22+$0x70]  }
0xde: {  	v7 =	vld [tilespmem:s1+$0x0]  }
0xdf: {  	v8 =	vld [tilespmem:s1+$0xFFFFFF10]  }
0xe0: {  	v9 =	vld [tilespmem:s22+$0xFFFFFF90]  }
0xe1: {  	v10 =	vld [tilespmem:s1+$0xFFFFFF20]  }
0xe2: {  	v11 =	vld [tilespmem:s22+$0xFFFFFFC0]  }
0xe3: {  	v12 =	vld [tilespmem:s1+$0xFFFFFF50]  }
0xe4: {  	v13 =	vld [tilespmem:s22+$0xFFFFFFD0]  }
0xe5: {  	v14 =	vld [tilespmem:s1+$0xFFFFFF60]  }
0xe6: {  	v15 =	vld [tilespmem:s22+$0x0]  }
0xe7: {  	v16 =	vld [tilespmem:s1+$0xFFFFFF90]  }
0xe8: {  	v17 =	vld [tilespmem:s22+$0x10]  }
0xe9: {  	v18 =	vld [tilespmem:s1+$0xFFFFFFA0]  }
0xea: {  	v19 =	vld [tilespmem:s22+$0xFFFFFF80]  }
0xeb: {  	v20 =	vld [tilespmem:s22+$0xFFFFFFA0]  }
0xec: {  	v21 =	vld [tilespmem:s22+$0xFFFFFFE0];
	v0 =	vmul.f32 v1, v0;
	v1 =	vmul.f32 v3, v2  }
0xed: {  	v22 =	vld [tilespmem:s22+$0x20]  }
0xee: {  	v3 =	vld [tilespmem:s1+$0xFFFFFF30];
	v0 =	vadd.f32 v1, v0;
	v1 =	vmul.f32 v5, v4  }
0xef: {  	v2 =	vmul.f32 v7, v6;
	v4 =	vld [tilespmem:s1+$0xFFFFFF70]  }
0xf0: {  	v23 =	vld [tilespmem:s1+$0xFFFFFFB0];
	v6 =	vmul.f32 v14, v13;
	v7 =	vmul.f32 v10, v9;
	v1 =	vadd.f32 v1, v0  }
0xf1: {  	v8 =	vmul.f32 v8, v19;
	v5 =	vmul.f32 v12, v11;
	v0 =	vld [tilespmem:s22+$0xFFFFFFB0]  }
0xf2: {  	v9 =	vmul.f32 v18, v17;
	v11 =	vadd.f32 v2, v1;
	v2 =	vld [tilespmem:s1+$0xFFFFFF40]  }
0xf3: {  	v8 =	vadd.f32 v7, v8;
	v7 =	vld [tilespmem:s1+$0xFFFFFF80];
	v5 =	vadd.f32 v6, v5;
	v6 =	vmul.f32 v16, v15  }
0xf4: {  	v10 =	vmul.f32 v3, v20;
	v1 =	vld [tilespmem:s22+$0xFFFFFFF0];
	v63 =	vmul.f32 v4, v21  }
0xf5: {  	s21 =	simm.s32 $0xF3B0;
	v3 =	vadd.f32 v9, v6;
	v9 =	vmul.f32 v23, v22;
	v4 =	vld [tilespmem:s22+$0x30]  }
0xf6: {  	s23 =	simm.s32 $0x500;
	v6 =	vadd.f32 v10, v8;
	s22 =	simm.s32 $0x0;
	v8 =	vld [tilespmem:s1+$0xFFFFFFC0];
	[tilespmem:s21+$0x0] =	vst v11;
	v5 =	vadd.f32 v63, v5  }
.LBB2_6:
0xf7: {  	v10 =	vld [tilespmem:s23+$0x40];
	v0 =	vmul.f32 v2, v0;
	v2 =	vadd.f32 v9, v3;
	s1 =	sadd.s32 $0x100, s1  }
0xf8: {  	v3 =	vld [tilespmem:s1+$0xFFFFFFD0]  }
0xf9: {  	v9 =	vld [tilespmem:s23+$0x50];
	v0 =	vadd.f32 v0, v6;
	v1 =	vmul.f32 v7, v1  }
0xfa: {  	s22 =	sadd.s32 $0x4, s22;
	v6 =	vld [tilespmem:s1+$0xFFFFFFE0]  }
0xfb: {  	p0 =	slt.u32 s22, $0x7C;
	v7 =	vld [tilespmem:s23+$0x60];
	[tilespmem:s21+$0xFFFFFFD0] =	vst v0;
	v0 =	vadd.f32 v1, v5;
	v1 =	vmul.f32 v8, v4  }
0xfc: {  	v4 =	vld [tilespmem:s1+$0xFFFFFFF0]  }
0xfd: {  	v5 =	vld [tilespmem:s23+$0x70];
	[tilespmem:s21+$0xFFFFFFE0] =	vst v0;
	v0 =	vadd.f32 v1, v2  }
0xfe: {  	v1 =	vld [tilespmem:s1+$0x0]  }
0xff: {  	v3 =	vmul.f32 v3, v10;
	v2 =	vld [tilespmem:s1+$0xFFFFFF10];
	v6 =	vmul.f32 v6, v9;
	[tilespmem:s21+$0xFFFFFFF0] =	vst v0  }
0x100: {  	v0 =	vld [tilespmem:s23+$0xFFFFFF90]  }
0x101: {  	v8 =	vld [tilespmem:s1+$0xFFFFFF20];
	v3 =	vadd.f32 v6, v3;
	v4 =	vmul.f32 v4, v7  }
0x102: {  	v6 =	vld [tilespmem:s23+$0xFFFFFFC0]  }
0x103: {  	v7 =	vld [tilespmem:s1+$0xFFFFFF50];
	v3 =	vadd.f32 v4, v3;
	v1 =	vmul.f32 v1, v5  }
0x104: {  	v4 =	vld [tilespmem:s23+$0xFFFFFFD0]  }
0x105: {  	v5 =	vld [tilespmem:s1+$0xFFFFFF60];
	v1 =	vadd.f32 v1, v3  }
0x106: {  	s21 =	sadd.s32 $0x40, s21;
	v0 =	vmul.f32 v8, v0;
	v3 =	vld [tilespmem:s23+$0x0]  }
0x107: {  	v8 =	vld [tilespmem:s1+$0xFFFFFF90];
	[tilespmem:s21+$0x0] =	vst v1  }
0x108: {  	v1 =	vmul.f32 v7, v6;
	v6 =	vld [tilespmem:s23+$0x10]  }
0x109: {  	v7 =	vld [tilespmem:s1+$0xFFFFFFA0]  }
0x10a: {  	v9 =	vld [tilespmem:s23+$0xFFFFFF80];
	v4 =	vmul.f32 v5, v4  }
0x10b: {  	v5 =	vld [tilespmem:s23+$0xFFFFFFA0]  }
0x10c: {  	v10 =	vld [tilespmem:s1+$0xFFFFFF30];
	v4 =	vadd.f32 v4, v1;
	v1 =	vmul.f32 v8, v3  }
0x10d: {  	v8 =	vld [tilespmem:s23+$0xFFFFFFE0]  }
0x10e: {  	v11 =	vld [tilespmem:s1+$0xFFFFFF70];
	v3 =	vmul.f32 v7, v6  }
0x10f: {  	v2 =	vmul.f32 v2, v9;
	v9 =	vld [tilespmem:s23+$0x20]  }
0x110: {  	v3 =	vadd.f32 v3, v1;
	v12 =	vld [tilespmem:s1+$0xFFFFFFB0]  }
0x111: {  	v1 =	vadd.f32 v0, v2;
	v5 =	vmul.f32 v10, v5;
	v0 =	vld [tilespmem:s23+$0xFFFFFFB0]  }
.Ltmp2:
0x112: {  	v2 =	vld [tilespmem:s1+$0xFFFFFF40];
	(pc) =	sbr.rel @p0 .LBB2_6-.Ltmp2, $4  }
0x113: {  	v6 =	vadd.f32 v5, v1;
	v5 =	vmul.f32 v11, v8;
	v1 =	vld [tilespmem:s23+$0xFFFFFFF0]  }
0x114: {  	v7 =	vld [tilespmem:s1+$0xFFFFFF80]  }
0x115: {  	v5 =	vadd.f32 v5, v4;
	v9 =	vmul.f32 v12, v9;
	v4 =	vld [tilespmem:s23+$0x30]  }
0x116: {  	s23 =	sadd.s32 $0x100, s23;
	v8 =	vld [tilespmem:s1+$0xFFFFFFC0]  }
0x117: {  	_ =	sdelay $0x1  }
0x118: {  	v0 =	vmul.f32 v2, v0  }
0x119: {  	v1 =	vmul.f32 v7, v1  }
0x11a: {  	v2 =	vadd.f32 v9, v3;
	v0 =	vadd.f32 v0, v6;
	v3 =	vmul.f32 v8, v4  }
0x11b: {  	v1 =	vadd.f32 v1, v5  }
0x11c: {  	[tilespmem:s21+$0xFFFFFFD0] =	vst v0;
	v0 =	vadd.f32 v3, v2  }
0x11d: {  	[tilespmem:s21+$0xFFFFFFE0] =	vst v1  }
0x11e: {  	[tilespmem:s21+$0xFFFFFFF0] =	vst v0  }
0x11f: {  	_ =	swait.ge [sflag:s29], $0x2000  }
0x120: {  	[sflag:s29] =	ssyncset.done $0x0  }
0x121: {  	s1 =	simm.s32 $0x0;
	[sflag:s29] =	ssyncadd.s32 $0xFFFFE000  }
0x122: {  	v0 =	vld [tilespmem:s1+$0x440]  }
0x123: {  	v1 =	vld [tilespmem:s1+$0x8440]  }
0x124: {  	v2 =	vld [tilespmem:s1+$0x450]  }
0x125: {  	v3 =	vld [tilespmem:s1+$0x8450]  }
0x126: {  	v4 =	vld [tilespmem:s1+$0x460]  }
0x127: {  	v5 =	vld [tilespmem:s1+$0x8460]  }
0x128: {  	v6 =	vld [tilespmem:s1+$0x470]  }
0x129: {  	v7 =	vld [tilespmem:s1+$0x8470]  }
0x12a: {  	v8 =	vld [tilespmem:s1+$0x380]  }
0x12b: {  	v9 =	vld [tilespmem:s1+$0x8380]  }
0x12c: {  	v10 =	vld [tilespmem:s1+$0x390]  }
0x12d: {  	v11 =	vld [tilespmem:s1+$0x8390]  }
0x12e: {  	v12 =	vld [tilespmem:s1+$0x3C0]  }
0x12f: {  	v13 =	vld [tilespmem:s1+$0x83C0]  }
0x130: {  	v14 =	vld [tilespmem:s1+$0x3D0]  }
0x131: {  	v15 =	vld [tilespmem:s1+$0x83D0]  }
0x132: {  	v16 =	vld [tilespmem:s1+$0x400]  }
0x133: {  	v17 =	vld [tilespmem:s1+$0x8400]  }
0x134: {  	v18 =	vld [tilespmem:s1+$0x410]  }
0x135: {  	v19 =	vld [tilespmem:s1+$0x8410]  }
0x136: {  	v20 =	vld [tilespmem:s1+$0x83A0];
	v0 =	vmul.f32 v1, v0;
	v1 =	vmul.f32 v3, v2  }
0x137: {  	v2 =	vld [tilespmem:s1+$0x3A0]  }
0x138: {  	v0 =	vadd.f32 v1, v0;
	v1 =	vmul.f32 v5, v4;
	v4 =	vld [tilespmem:s1+$0x3E0]  }
0x139: {  	v5 =	vld [tilespmem:s1+$0x83E0]  }
0x13a: {  	v3 =	vmul.f32 v9, v8;
	v8 =	vld [tilespmem:s1+$0x8420];
	v0 =	vadd.f32 v1, v0;
	v1 =	vmul.f32 v7, v6  }
0x13b: {  	v6 =	vld [tilespmem:s1+$0x420];
	v7 =	vmul.f32 v11, v10  }
0x13c: {  	v10 =	vmul.f32 v15, v14;
	v9 =	vadd.f32 v1, v0;
	v1 =	vmul.f32 v13, v12;
	v0 =	vld [tilespmem:s1+$0x3B0]  }
0x13d: {  	v62 =	vmul.f32 v19, v18;
	v11 =	vadd.f32 v7, v3;
	v7 =	vmul.f32 v17, v16;
	v3 =	vld [tilespmem:s1+$0x83B0]  }
0x13e: {  	v2 =	vmul.f32 v20, v2;
	v63 =	vmul.f32 v5, v4;
	v10 =	vadd.f32 v10, v1;
	v1 =	vld [tilespmem:s1+$0x3F0]  }
0x13f: {  	s21 =	simm.s32 $0xFBB0;
	v4 =	vadd.f32 v62, v7;
	v7 =	vld [tilespmem:s1+$0x83F0]  }
0x140: {  	s22 =	simm.s32 $0x0;
	s23 =	simm.s32 $0x400;
	[tilespmem:s21+$0x0] =	vst v9;
	v5 =	vadd.f32 v2, v11;
	v8 =	vmul.f32 v8, v6;
	v6 =	vld [tilespmem:s1+$0x430];
	v2 =	vadd.f32 v63, v10  }
.LBB2_8:
0x141: {  	v9 =	vld [tilespmem:s1+$0x8430];
	s1 =	sshra.s32 s23, $0x2  }
0x142: {  	v10 =	vld [tilespmem:s1+$0x440];
	v0 =	vmul.f32 v3, v0;
	v3 =	vadd.f32 v8, v4  }
0x143: {  	v4 =	vld [tilespmem:s1+$0x8440]  }
0x144: {  	s22 =	sadd.s32 $0x4, s22;
	v8 =	vld [tilespmem:s1+$0x450];
	v0 =	vadd.f32 v0, v5;
	v1 =	vmul.f32 v7, v1  }
0x145: {  	p0 =	slt.u32 s22, $0x7C;
	v5 =	vld [tilespmem:s1+$0x8450]  }
0x146: {  	v7 =	vld [tilespmem:s1+$0x460];
	[tilespmem:s21+$0xFFFFFFD0] =	vst v0;
	v0 =	vadd.f32 v1, v2;
	v1 =	vmul.f32 v9, v6  }
0x147: {  	v2 =	vld [tilespmem:s1+$0x8460]  }
0x148: {  	v6 =	vld [tilespmem:s1+$0x470];
	[tilespmem:s21+$0xFFFFFFE0] =	vst v0;
	v0 =	vadd.f32 v1, v3  }
0x149: {  	v1 =	vld [tilespmem:s1+$0x8470]  }
0x14a: {  	v4 =	vmul.f32 v4, v10;
	v3 =	vld [tilespmem:s1+$0x380];
	v5 =	vmul.f32 v5, v8;
	[tilespmem:s21+$0xFFFFFFF0] =	vst v0  }
0x14b: {  	v0 =	vld [tilespmem:s1+$0x8380]  }
0x14c: {  	v8 =	vld [tilespmem:s1+$0x390];
	v4 =	vadd.f32 v5, v4;
	v2 =	vmul.f32 v2, v7  }
0x14d: {  	v5 =	vld [tilespmem:s1+$0x8390]  }
0x14e: {  	v7 =	vld [tilespmem:s1+$0x3C0];
	v2 =	vadd.f32 v2, v4;
	v1 =	vmul.f32 v1, v6  }
0x14f: {  	v4 =	vld [tilespmem:s1+$0x83C0]  }
0x150: {  	v0 =	vmul.f32 v0, v3;
	v3 =	vld [tilespmem:s1+$0x3D0];
	v1 =	vadd.f32 v1, v2  }
0x151: {  	s21 =	sadd.s32 $0x40, s21;
	v2 =	vld [tilespmem:s1+$0x83D0]  }
0x152: {  	v5 =	vmul.f32 v5, v8;
	v6 =	vld [tilespmem:s1+$0x400];
	[tilespmem:s21+$0x0] =	vst v1  }
0x153: {  	v1 =	vld [tilespmem:s1+$0x8400]  }
0x154: {  	v5 =	vadd.f32 v5, v0;
	v0 =	vmul.f32 v4, v7;
	v4 =	vld [tilespmem:s1+$0x410]  }
0x155: {  	v7 =	vld [tilespmem:s1+$0x8410]  }
0x156: {  	v8 =	vld [tilespmem:s1+$0x3A0];
	v2 =	vmul.f32 v2, v3  }
0x157: {  	v3 =	vld [tilespmem:s1+$0x83A0]  }
0x158: {  	v2 =	vadd.f32 v2, v0;
	v9 =	vld [tilespmem:s1+$0x3E0];
	v1 =	vmul.f32 v1, v6  }
0x159: {  	v6 =	vld [tilespmem:s1+$0x83E0]  }
0x15a: {  	v4 =	vmul.f32 v7, v4;
	v10 =	vld [tilespmem:s1+$0x420]  }
0x15b: {  	v11 =	vld [tilespmem:s1+$0x8420]  }
.Ltmp3:
0x15c: {  	v7 =	vmul.f32 v3, v8;
	v0 =	vld [tilespmem:s1+$0x3B0];
	v4 =	vadd.f32 v4, v1;
	(pc) =	sbr.rel @p0 .LBB2_8-.Ltmp3, $4  }
0x15d: {  	v3 =	vld [tilespmem:s1+$0x83B0]  }
0x15e: {  	v5 =	vadd.f32 v7, v5;
	v6 =	vmul.f32 v6, v9;
	v1 =	vld [tilespmem:s1+$0x3F0]  }
0x15f: {  	v7 =	vld [tilespmem:s1+$0x83F0]  }
0x160: {  	s23 =	sadd.s32 $0x400, s23;
	v2 =	vadd.f32 v6, v2;
	v8 =	vmul.f32 v11, v10;
	v6 =	vld [tilespmem:s1+$0x430]  }
0x161: {  	v9 =	vld [tilespmem:s1+$0x8430];
	_ =	sdelay $0x2  }
0x162: {  	v0 =	vmul.f32 v3, v0  }
0x163: {  	v1 =	vmul.f32 v7, v1  }
0x164: {  	v3 =	vadd.f32 v8, v4;
	v0 =	vadd.f32 v0, v5;
	v4 =	vmul.f32 v9, v6  }
0x165: {  	v1 =	vadd.f32 v1, v2  }
0x166: {  	[tilespmem:s21+$0xFFFFFFD0] =	vst v0;
	v0 =	vadd.f32 v4, v3  }
0x167: {  	[tilespmem:s21+$0xFFFFFFE0] =	vst v1  }
0x168: {  	[tilespmem:s21+$0xFFFFFFF0] =	vst v0  }
0x169: {  	_ =	swait.ge [sflag:s29], $0x2000  }
0x16a: {  	[sflag:s29] =	ssyncset.done $0x0  }
0x16b: {  	s1 =	simm.s32 $0x0;
	[sflag:s29] =	ssyncadd.s32 $0xFFFFE000  }
0x16c: {  	v0 =	vld [tilespmem:s1+$0x440]  }
0x16d: {  	v1 =	vld [tilespmem:s1+$0xA440]  }
0x16e: {  	v2 =	vld [tilespmem:s1+$0x450]  }
0x16f: {  	v3 =	vld [tilespmem:s1+$0xA450]  }
0x170: {  	v4 =	vld [tilespmem:s1+$0x460]  }
0x171: {  	v5 =	vld [tilespmem:s1+$0xA460]  }
0x172: {  	v6 =	vld [tilespmem:s1+$0x470]  }
0x173: {  	v7 =	vld [tilespmem:s1+$0xA470]  }
0x174: {  	v8 =	vld [tilespmem:s1+$0x380]  }
0x175: {  	v9 =	vld [tilespmem:s1+$0xA380]  }
0x176: {  	v10 =	vld [tilespmem:s1+$0x390]  }
0x177: {  	v11 =	vld [tilespmem:s1+$0xA390]  }
0x178: {  	v12 =	vld [tilespmem:s1+$0x3C0]  }
0x179: {  	v13 =	vld [tilespmem:s1+$0xA3C0]  }
0x17a: {  	v14 =	vld [tilespmem:s1+$0x3D0]  }
0x17b: {  	v15 =	vld [tilespmem:s1+$0xA3D0]  }
0x17c: {  	v16 =	vld [tilespmem:s1+$0x400]  }
0x17d: {  	v17 =	vld [tilespmem:s1+$0xA400]  }
0x17e: {  	v18 =	vld [tilespmem:s1+$0x410]  }
0x17f: {  	v19 =	vld [tilespmem:s1+$0xA410]  }
0x180: {  	v20 =	vld [tilespmem:s1+$0xA3A0];
	v0 =	vmul.f32 v1, v0;
	v1 =	vmul.f32 v3, v2  }
0x181: {  	v2 =	vld [tilespmem:s1+$0x3A0]  }
0x182: {  	v0 =	vadd.f32 v1, v0;
	v1 =	vmul.f32 v5, v4;
	v4 =	vld [tilespmem:s1+$0x3E0]  }
0x183: {  	v5 =	vld [tilespmem:s1+$0xA3E0]  }
0x184: {  	v3 =	vmul.f32 v9, v8;
	v8 =	vld [tilespmem:s1+$0xA420];
	v0 =	vadd.f32 v1, v0;
	v1 =	vmul.f32 v7, v6  }
0x185: {  	v6 =	vld [tilespmem:s1+$0x420];
	v7 =	vmul.f32 v11, v10  }
0x186: {  	v10 =	vmul.f32 v15, v14;
	v9 =	vadd.f32 v1, v0;
	v1 =	vmul.f32 v13, v12;
	v0 =	vld [tilespmem:s1+$0x3B0]  }
0x187: {  	v62 =	vmul.f32 v19, v18;
	v11 =	vadd.f32 v7, v3;
	v7 =	vmul.f32 v17, v16;
	v3 =	vld [tilespmem:s1+$0xA3B0]  }
0x188: {  	v2 =	vmul.f32 v20, v2;
	v63 =	vmul.f32 v5, v4;
	v10 =	vadd.f32 v10, v1;
	v1 =	vld [tilespmem:s1+$0x3F0]  }
0x189: {  	s21 =	simm.s32 $0x103B0;
	v4 =	vadd.f32 v62, v7;
	v7 =	vld [tilespmem:s1+$0xA3F0]  }
0x18a: {  	s22 =	simm.s32 $0x0;
	s23 =	simm.s32 $0x400;
	[tilespmem:s21+$0x0] =	vst v9;
	v5 =	vadd.f32 v2, v11;
	v8 =	vmul.f32 v8, v6;
	v6 =	vld [tilespmem:s1+$0x430];
	v2 =	vadd.f32 v63, v10  }
.LBB2_10:
0x18b: {  	v9 =	vld [tilespmem:s1+$0xA430];
	s1 =	sshra.s32 s23, $0x2  }
0x18c: {  	v10 =	vld [tilespmem:s1+$0x440];
	v0 =	vmul.f32 v3, v0;
	v3 =	vadd.f32 v8, v4  }
0x18d: {  	v4 =	vld [tilespmem:s1+$0xA440]  }
0x18e: {  	s22 =	sadd.s32 $0x4, s22;
	v8 =	vld [tilespmem:s1+$0x450];
	v0 =	vadd.f32 v0, v5;
	v1 =	vmul.f32 v7, v1  }
0x18f: {  	p0 =	slt.u32 s22, $0x7C;
	v5 =	vld [tilespmem:s1+$0xA450]  }
0x190: {  	v7 =	vld [tilespmem:s1+$0x460];
	[tilespmem:s21+$0xFFFFFFD0] =	vst v0;
	v0 =	vadd.f32 v1, v2;
	v1 =	vmul.f32 v9, v6  }
0x191: {  	v2 =	vld [tilespmem:s1+$0xA460]  }
0x192: {  	v6 =	vld [tilespmem:s1+$0x470];
	[tilespmem:s21+$0xFFFFFFE0] =	vst v0;
	v0 =	vadd.f32 v1, v3  }
0x193: {  	v1 =	vld [tilespmem:s1+$0xA470]  }
0x194: {  	v4 =	vmul.f32 v4, v10;
	v3 =	vld [tilespmem:s1+$0x380];
	v5 =	vmul.f32 v5, v8;
	[tilespmem:s21+$0xFFFFFFF0] =	vst v0  }
0x195: {  	v0 =	vld [tilespmem:s1+$0xA380]  }
0x196: {  	v8 =	vld [tilespmem:s1+$0x390];
	v4 =	vadd.f32 v5, v4;
	v2 =	vmul.f32 v2, v7  }
0x197: {  	v5 =	vld [tilespmem:s1+$0xA390]  }
0x198: {  	v7 =	vld [tilespmem:s1+$0x3C0];
	v2 =	vadd.f32 v2, v4;
	v1 =	vmul.f32 v1, v6  }
0x199: {  	v4 =	vld [tilespmem:s1+$0xA3C0]  }
0x19a: {  	v0 =	vmul.f32 v0, v3;
	v3 =	vld [tilespmem:s1+$0x3D0];
	v1 =	vadd.f32 v1, v2  }
0x19b: {  	s21 =	sadd.s32 $0x40, s21;
	v2 =	vld [tilespmem:s1+$0xA3D0]  }
0x19c: {  	v5 =	vmul.f32 v5, v8;
	v6 =	vld [tilespmem:s1+$0x400];
	[tilespmem:s21+$0x0] =	vst v1  }
0x19d: {  	v1 =	vld [tilespmem:s1+$0xA400]  }
0x19e: {  	v5 =	vadd.f32 v5, v0;
	v0 =	vmul.f32 v4, v7;
	v4 =	vld [tilespmem:s1+$0x410]  }
0x19f: {  	v7 =	vld [tilespmem:s1+$0xA410]  }
0x1a0: {  	v8 =	vld [tilespmem:s1+$0x3A0];
	v2 =	vmul.f32 v2, v3  }
0x1a1: {  	v3 =	vld [tilespmem:s1+$0xA3A0]  }
0x1a2: {  	v2 =	vadd.f32 v2, v0;
	v9 =	vld [tilespmem:s1+$0x3E0];
	v1 =	vmul.f32 v1, v6  }
0x1a3: {  	v6 =	vld [tilespmem:s1+$0xA3E0]  }
0x1a4: {  	v4 =	vmul.f32 v7, v4;
	v10 =	vld [tilespmem:s1+$0x420]  }
0x1a5: {  	v11 =	vld [tilespmem:s1+$0xA420]  }
.Ltmp4:
0x1a6: {  	v7 =	vmul.f32 v3, v8;
	v0 =	vld [tilespmem:s1+$0x3B0];
	v4 =	vadd.f32 v4, v1;
	(pc) =	sbr.rel @p0 .LBB2_10-.Ltmp4, $4  }
0x1a7: {  	v3 =	vld [tilespmem:s1+$0xA3B0]  }
0x1a8: {  	v5 =	vadd.f32 v7, v5;
	v6 =	vmul.f32 v6, v9;
	v1 =	vld [tilespmem:s1+$0x3F0]  }
0x1a9: {  	v7 =	vld [tilespmem:s1+$0xA3F0]  }
0x1aa: {  	s23 =	sadd.s32 $0x400, s23;
	v2 =	vadd.f32 v6, v2;
	v8 =	vmul.f32 v11, v10;
	v6 =	vld [tilespmem:s1+$0x430]  }
0x1ab: {  	v9 =	vld [tilespmem:s1+$0xA430];
	_ =	sdelay $0x2  }
0x1ac: {  	v0 =	vmul.f32 v3, v0  }
0x1ad: {  	v1 =	vmul.f32 v7, v1  }
0x1ae: {  	v3 =	vadd.f32 v8, v4;
	v0 =	vadd.f32 v0, v5;
	v4 =	vmul.f32 v9, v6  }
0x1af: {  	v1 =	vadd.f32 v1, v2  }
0x1b0: {  	[tilespmem:s21+$0xFFFFFFD0] =	vst v0;
	v0 =	vadd.f32 v4, v3  }
0x1b1: {  	[tilespmem:s21+$0xFFFFFFE0] =	vst v1  }
0x1b2: {  	[tilespmem:s21+$0xFFFFFFF0] =	vst v0  }
0x1b3: {  	_ =	swait.ge [sflag:s29], $0x2000  }
0x1b4: {  	[sflag:s29] =	ssyncset.done $0x0  }
0x1b5: {  	s1 =	simm.s32 $0x0;
	[sflag:s29] =	ssyncadd.s32 $0xFFFFE000  }
0x1b6: {  	v0 =	vld [tilespmem:s1+$0x440]  }
0x1b7: {  	v1 =	vld [tilespmem:s1+$0xC440]  }
0x1b8: {  	v2 =	vld [tilespmem:s1+$0x450]  }
0x1b9: {  	v3 =	vld [tilespmem:s1+$0xC450]  }
0x1ba: {  	v4 =	vld [tilespmem:s1+$0x460]  }
0x1bb: {  	v5 =	vld [tilespmem:s1+$0xC460]  }
0x1bc: {  	v6 =	vld [tilespmem:s1+$0x470]  }
0x1bd: {  	v7 =	vld [tilespmem:s1+$0xC470]  }
0x1be: {  	v8 =	vld [tilespmem:s1+$0x380]  }
0x1bf: {  	v9 =	vld [tilespmem:s1+$0xC380]  }
0x1c0: {  	v10 =	vld [tilespmem:s1+$0x390]  }
0x1c1: {  	v11 =	vld [tilespmem:s1+$0xC390]  }
0x1c2: {  	v12 =	vld [tilespmem:s1+$0x3C0]  }
0x1c3: {  	v13 =	vld [tilespmem:s1+$0xC3C0]  }
0x1c4: {  	v14 =	vld [tilespmem:s1+$0x3D0]  }
0x1c5: {  	v15 =	vld [tilespmem:s1+$0xC3D0]  }
0x1c6: {  	v16 =	vld [tilespmem:s1+$0x400]  }
0x1c7: {  	v17 =	vld [tilespmem:s1+$0xC400]  }
0x1c8: {  	v18 =	vld [tilespmem:s1+$0x410]  }
0x1c9: {  	v19 =	vld [tilespmem:s1+$0xC410]  }
0x1ca: {  	v20 =	vld [tilespmem:s1+$0xC3A0];
	v0 =	vmul.f32 v1, v0;
	v1 =	vmul.f32 v3, v2  }
0x1cb: {  	v2 =	vld [tilespmem:s1+$0x3A0]  }
0x1cc: {  	v0 =	vadd.f32 v1, v0;
	v1 =	vmul.f32 v5, v4;
	v4 =	vld [tilespmem:s1+$0x3E0]  }
0x1cd: {  	v5 =	vld [tilespmem:s1+$0xC3E0]  }
0x1ce: {  	v3 =	vmul.f32 v9, v8;
	v8 =	vld [tilespmem:s1+$0xC420];
	v0 =	vadd.f32 v1, v0;
	v1 =	vmul.f32 v7, v6  }
0x1cf: {  	v6 =	vld [tilespmem:s1+$0x420];
	v7 =	vmul.f32 v11, v10  }
0x1d0: {  	v10 =	vmul.f32 v15, v14;
	v9 =	vadd.f32 v1, v0;
	v1 =	vmul.f32 v13, v12;
	v0 =	vld [tilespmem:s1+$0x3B0]  }
0x1d1: {  	v62 =	vmul.f32 v19, v18;
	v11 =	vadd.f32 v7, v3;
	v7 =	vmul.f32 v17, v16;
	v3 =	vld [tilespmem:s1+$0xC3B0]  }
0x1d2: {  	v2 =	vmul.f32 v20, v2;
	v63 =	vmul.f32 v5, v4;
	v10 =	vadd.f32 v10, v1;
	v1 =	vld [tilespmem:s1+$0x3F0]  }
0x1d3: {  	s21 =	simm.s32 $0x10BB0;
	v4 =	vadd.f32 v62, v7;
	v7 =	vld [tilespmem:s1+$0xC3F0]  }
0x1d4: {  	s22 =	simm.s32 $0x0;
	s23 =	simm.s32 $0x400;
	[tilespmem:s21+$0x0] =	vst v9;
	v5 =	vadd.f32 v2, v11;
	v8 =	vmul.f32 v8, v6;
	v6 =	vld [tilespmem:s1+$0x430];
	v2 =	vadd.f32 v63, v10  }
.LBB2_12:
0x1d5: {  	v9 =	vld [tilespmem:s1+$0xC430];
	s1 =	sshra.s32 s23, $0x2  }
0x1d6: {  	v10 =	vld [tilespmem:s1+$0x440];
	v0 =	vmul.f32 v3, v0;
	v3 =	vadd.f32 v8, v4  }
0x1d7: {  	v4 =	vld [tilespmem:s1+$0xC440]  }
0x1d8: {  	s22 =	sadd.s32 $0x4, s22;
	v8 =	vld [tilespmem:s1+$0x450];
	v0 =	vadd.f32 v0, v5;
	v1 =	vmul.f32 v7, v1  }
0x1d9: {  	p0 =	slt.u32 s22, $0x7C;
	v5 =	vld [tilespmem:s1+$0xC450]  }
0x1da: {  	v7 =	vld [tilespmem:s1+$0x460];
	[tilespmem:s21+$0xFFFFFFD0] =	vst v0;
	v0 =	vadd.f32 v1, v2;
	v1 =	vmul.f32 v9, v6  }
0x1db: {  	v2 =	vld [tilespmem:s1+$0xC460]  }
0x1dc: {  	v6 =	vld [tilespmem:s1+$0x470];
	[tilespmem:s21+$0xFFFFFFE0] =	vst v0;
	v0 =	vadd.f32 v1, v3  }
0x1dd: {  	v1 =	vld [tilespmem:s1+$0xC470]  }
0x1de: {  	v4 =	vmul.f32 v4, v10;
	v3 =	vld [tilespmem:s1+$0x380];
	v5 =	vmul.f32 v5, v8;
	[tilespmem:s21+$0xFFFFFFF0] =	vst v0  }
0x1df: {  	v0 =	vld [tilespmem:s1+$0xC380]  }
0x1e0: {  	v8 =	vld [tilespmem:s1+$0x390];
	v4 =	vadd.f32 v5, v4;
	v2 =	vmul.f32 v2, v7  }
0x1e1: {  	v5 =	vld [tilespmem:s1+$0xC390]  }
0x1e2: {  	v7 =	vld [tilespmem:s1+$0x3C0];
	v2 =	vadd.f32 v2, v4;
	v1 =	vmul.f32 v1, v6  }
0x1e3: {  	v4 =	vld [tilespmem:s1+$0xC3C0]  }
0x1e4: {  	v0 =	vmul.f32 v0, v3;
	v3 =	vld [tilespmem:s1+$0x3D0];
	v1 =	vadd.f32 v1, v2  }
0x1e5: {  	s21 =	sadd.s32 $0x40, s21;
	v2 =	vld [tilespmem:s1+$0xC3D0]  }
0x1e6: {  	v5 =	vmul.f32 v5, v8;
	v6 =	vld [tilespmem:s1+$0x400];
	[tilespmem:s21+$0x0] =	vst v1  }
0x1e7: {  	v1 =	vld [tilespmem:s1+$0xC400]  }
0x1e8: {  	v5 =	vadd.f32 v5, v0;
	v0 =	vmul.f32 v4, v7;
	v4 =	vld [tilespmem:s1+$0x410]  }
0x1e9: {  	v7 =	vld [tilespmem:s1+$0xC410]  }
0x1ea: {  	v8 =	vld [tilespmem:s1+$0x3A0];
	v2 =	vmul.f32 v2, v3  }
0x1eb: {  	v3 =	vld [tilespmem:s1+$0xC3A0]  }
0x1ec: {  	v2 =	vadd.f32 v2, v0;
	v9 =	vld [tilespmem:s1+$0x3E0];
	v1 =	vmul.f32 v1, v6  }
0x1ed: {  	v6 =	vld [tilespmem:s1+$0xC3E0]  }
0x1ee: {  	v4 =	vmul.f32 v7, v4;
	v10 =	vld [tilespmem:s1+$0x420]  }
0x1ef: {  	v11 =	vld [tilespmem:s1+$0xC420]  }
.Ltmp5:
0x1f0: {  	v7 =	vmul.f32 v3, v8;
	v0 =	vld [tilespmem:s1+$0x3B0];
	v4 =	vadd.f32 v4, v1;
	(pc) =	sbr.rel @p0 .LBB2_12-.Ltmp5, $4  }
0x1f1: {  	v3 =	vld [tilespmem:s1+$0xC3B0]  }
0x1f2: {  	v5 =	vadd.f32 v7, v5;
	v6 =	vmul.f32 v6, v9;
	v1 =	vld [tilespmem:s1+$0x3F0]  }
0x1f3: {  	v7 =	vld [tilespmem:s1+$0xC3F0]  }
0x1f4: {  	s23 =	sadd.s32 $0x400, s23;
	v2 =	vadd.f32 v6, v2;
	v8 =	vmul.f32 v11, v10;
	v6 =	vld [tilespmem:s1+$0x430]  }
0x1f5: {  	v9 =	vld [tilespmem:s1+$0xC430];
	_ =	sdelay $0x2  }
0x1f6: {  	v0 =	vmul.f32 v3, v0  }
0x1f7: {  	v1 =	vmul.f32 v7, v1  }
0x1f8: {  	v61 =	vadd.f32 v8, v4;
	v0 =	vadd.f32 v0, v5;
	v62 =	vmul.f32 v9, v6  }
0x1f9: {  	v1 =	vadd.f32 v1, v2  }
0x1fa: {  	s0 =	sadd.s32 $0x1, s0;
	[tilespmem:s21+$0xFFFFFFD0] =	vst v0;
	v63 =	vadd.f32 v62, v61  }
0x1fb: {  	p0 =	sne.s32 s0, s13;
	[tilespmem:s21+$0xFFFFFFE0] =	vst v1  }
.Ltmp6:
0x1fc: {  	[tilespmem:s21+$0xFFFFFFF0] =	vst v63;
	(pc) =	sbr.rel @p0 .LBB2_1-.Ltmp6, $4  }
0x1fd: {  	[hbm4b:s12+s2] =	stream.linear.scatter [tilespmem:s30], [sflag:$0x3], $0x3000, $0x38;
	[tilespmem:$0x11380] =	vst v63  }
0x1fe: {  	_ =	swait.ge [sflag:s31], $0x3000  }
0x1ff: {  	[sflag:s31] =	ssyncset.done $0x0  }
0x200: {  	[sflag:s31] =	ssyncadd.s32 $0xFFFFD000  }
0x201: {  	_ =	sfence.sel $0x180000  }
0x202: {  	[bflag:$0x0] =	sbarrier.arrive $0xFFFF  }
0x203: {  	_ =	strace $0x90000047  }
0x204: {  	s0 =	stileid.u32;
	[bflag:$0x2] =	sbarrier.arrive $0xFFFF  }
0x205: {  	p0 =	sne.s32 s0, $0x0;
	s0 =	rddreg [dreg:$0x3]  }
0x206: {  	s0 =	sadd.s32 @!p0 $0x100000, s0  }
0x207: {  	[sflag:s0] =	ssyncadd.tile.s32 @!p0 $0x1;
	_ =	shalt  }
.Lfunc_end2:
_tile_overlayer_lowered:
.L_overlay_start_2:
0x208: {  	(tag) =	ssettag $0x2  }
0x209: {  	s0 =	rddreg [dreg:$0x0];
	s2 =	stileid.u32  }
0x20a: {  	s1 =	rddreg [dreg:$0x1];
	p0 =	sne.s32 s2, $0x0  }
0x20b: {  	s3 =	rddreg [dreg:$0x2];
	[bflag:$0x3] =	sbarrier.arrive $0xFFFF;
	s2 =	simm.s32 @!p0 $0x1C03  }
0x20c: {  	[timem:s3], [sflag:s2] =	dma.local @!p0 [hbm:s0], s1  }
0x20d: {  	s0 =	simm.s32 @!p0 $0x3  }
0x20e: {  	_ =	swait.ge @!p0 [sflag:s0], s1  }
0x20f: {  	s1 =	ssub.s32 @!p0 $0x0, s1;
	[sflag:s0] =	ssyncset.done @!p0 $0x0  }
0x210: {  	[sflag:s0] =	ssyncadd.s32 @!p0 s1  }
0x211: {  	[bflag:$0x3] =	sbarrier.arrive $0xFFFF  }
0x212: {  	_ =	shalt  }

</sc_bundles>
